<compile_context>
chip_gen: v7x
topology: tpu7x:2x2x1
jax: 0.10.2.dev20260603
libtpu: 0.0.44.dev20260713+nightly
codegen_flags: <defaults>
</compile_context>

<pallas_src>
import functools

import jax
import jax.numpy as jnp
from jax import lax
from jax.experimental import pallas as pl
from jax.experimental.pallas import tpu as pltpu
from jax.experimental.pallas import tpu_sc as plsc

NN = 10000
NP = 10240
KK = 16
NF = 64
BN = 256
GRID = NP // BN
BNP = 200
GRIDP = NN // BNP
EE = NP * KK

NW = 32
SC_PER_W = EE // NW
SC_CH = 40
SC_NCHUNK = SC_PER_W // SC_CH
GE_CH = 256
GE_NCHUNK = SC_PER_W // GE_CH
GE_GROUPS = GE_CH // 16
RBF_ROWS = EE * KK // 128
EV_ROWS = EE * 4 // 128

LOG2 = 0.6931471805599453


def _ssp(x):
    return jnp.maximum(x, 0.0) + jnp.log(1.0 + jnp.exp(-jnp.abs(x))) - LOG2



def _pre_body(feat_ref, w0_ref, w1_ref, out_ref):
    f = feat_ref[...]
    w0 = w0_ref[...]
    w1 = w1_ref[...]
    parts = [jnp.dot(f[:, :NF], w0, preferred_element_type=jnp.float32)]
    for c in range(3):
        parts.append(jnp.dot(f[:, NF * (1 + c):NF * (2 + c)], w1,
                             preferred_element_type=jnp.float32))
    pref = jnp.concatenate(parts, axis=-1)
    lob = lax.bitcast_convert_type(
        pref[:, :2 * NF].astype(jnp.bfloat16).astype(jnp.float32), jnp.uint32)
    hib = lax.bitcast_convert_type(
        pref[:, 2 * NF:].astype(jnp.bfloat16).astype(jnp.float32), jnp.uint32)
    out_ref[...] = lax.bitcast_convert_type(
        (lob >> 16) | hib, jnp.float32)


def _pre_call(feat, Wpre0, Wpre1):
    return pl.pallas_call(
        _pre_body,
        grid=(GRIDP,),
        in_specs=[
            pl.BlockSpec((BNP, 4 * NF), lambda i: (i, 0)),
            pl.BlockSpec((NF, NF), lambda i: (0, 0)),
            pl.BlockSpec((NF, NF), lambda i: (0, 0)),
        ],
        out_specs=pl.BlockSpec((BNP, 2 * NF), lambda i: (i, 0)),
        out_shape=jax.ShapeDtypeStruct((NN, 2 * NF), jnp.float32),
    )(feat, Wpre0, Wpre1)



def _sc_body(pre_hbm, xyzc_hbm, idx_hbm, mask_hbm,
             out_pre_hbm, out_rbf_hbm, out_ev_hbm,
             xyz_v, idx_v, mask_v, bufa_v, bufb_v, rbf_v, ev_v,
             sema, semb):
    nc = 2
    wid = lax.axis_index("s") * nc + lax.axis_index("c")
    wbase = wid * SC_PER_W
    pltpu.sync_copy(xyzc_hbm, xyz_v)
    pltpu.sync_copy(idx_hbm.at[pl.ds(wbase, SC_PER_W)], idx_v)
    pltpu.sync_copy(mask_hbm.at[pl.ds(wbase, SC_PER_W)], mask_v)

    lanes = lax.iota(jnp.int32, 16)
    zero16 = jnp.zeros((16,), jnp.int32)
    one16 = zero16 + 1
    two16 = zero16 + 2
    nbase = wbase - (wbase // NP) * NP

    def geo_chunk(ci, carry):
        cbase = ci * GE_CH

        def group(g, carry2):
            lb = cbase + g * 16
            lc = g * 16
            e_idx = idx_v[pl.ds(lb, 16)]

            def gat(w):
                return plsc.load_gather(
                    xyz_v, [lax.shift_right_logical(w, 7), w & 127])

            ew = lax.shift_left(e_idx, 2)
            sx = gat(ew)
            sy = gat(ew + 1)
            sz = gat(ew + 2)
            n_idx = (nbase + lb) + lanes
            nw = lax.shift_left(n_idx, 2)
            cx = gat(nw)
            cy = gat(nw + 1)
            cz = gat(nw + 2)
            m = mask_v[pl.ds(lb, 16)]
            rx = sx - cx
            ry = sy - cy
            rz = sz - cz
            d2 = rx * rx + ry * ry + rz * rz + 1e-12
            seed = plsc.bitcast(
                0x5F3759DF - lax.shift_right_logical(plsc.bitcast(d2, jnp.int32), 1),
                jnp.float32)
            h2 = 0.5 * d2
            x = seed * (1.5 - h2 * seed * seed)
            x = x * (1.5 - h2 * x * x)
            x = x * (1.5 - h2 * x * x)
            d = d2 * x
            t = d * 0.2
            t3 = t * t * t
            env = jnp.where(t < 1.0,
                            1.0 - 10.0 * t3 + 15.0 * t3 * t - 6.0 * t3 * t * t,
                            0.0)
            scale = env * x * m
            le4 = (lc + lanes) * 4

            def scat(ref, w, val):
                plsc.store_scatter(
                    ref, [lax.shift_right_logical(w, 7), w & 127], val)

            scat(ev_v, le4, ry * x)
            scat(ev_v, le4 + 1, rz * x)
            scat(ev_v, le4 + 2, rx * x)
            tc = jnp.minimum(t, 1.0)
            x2 = tc * tc
            s1 = tc * (1.0 + x2 * (-1.0 / 6.0 + x2 * (1.0 / 120.0
                      + x2 * (-1.0 / 5040.0 + x2 * (1.0 / 362880.0)))))
            c1 = 1.0 + x2 * (-0.5 + x2 * (1.0 / 24.0 + x2 * (-1.0 / 720.0
                      + x2 * (1.0 / 40320.0 + x2 * (-1.0 / 3628800.0)))))
            twoc = 2.0 * c1
            le16 = (lc + lanes) * 16
            scat(rbf_v, le16, jnp.zeros((16,), jnp.float32))
            sp = jnp.zeros((16,), jnp.float32)
            sc = s1
            scat(rbf_v, le16 + 1, sc * scale)
            for f in range(2, KK):
                sp, sc = sc, twoc * sc - sp
                scat(rbf_v, le16 + f, sc * scale)
            return carry2

        lax.fori_loop(0, GE_GROUPS, group, 0)
        pltpu.sync_copy(rbf_v,
                        out_rbf_hbm.at[pl.ds(wid * (SC_PER_W * KK // 128)
                                             + ci * (GE_CH * KK // 128),
                                             GE_CH * KK // 128)])
        pltpu.sync_copy(ev_v,
                        out_ev_hbm.at[pl.ds(wid * (SC_PER_W * 4 // 128)
                                            + ci * (GE_CH * 4 // 128),
                                            GE_CH * 4 // 128)])
        return carry

    lax.fori_loop(0, GE_NCHUNK, geo_chunk, 0)

    def gather(j, buf, sem):
        idx_c = idx_v.at[pl.ds(j * SC_CH, SC_CH)]
        return pltpu.async_copy(pre_hbm.at[idx_c], buf, sem)

    def writeback(j, buf):
        pltpu.sync_copy(buf, out_pre_hbm.at[pl.ds(wbase + j * SC_CH, SC_CH)])

    cpa = gather(0, bufa_v, sema)

    def pair(i, carry):
        j0 = 2 * i
        cpb = gather(j0 + 1, bufb_v, semb)
        pltpu.make_async_copy(pre_hbm.at[idx_v.at[pl.ds(j0 * SC_CH, SC_CH)]],
                              bufa_v, sema).wait()
        writeback(j0, bufa_v)
        jn = jnp.minimum(j0 + 2, SC_NCHUNK - 1)
        cpa2 = gather(jn, bufa_v, sema)
        pltpu.make_async_copy(
            pre_hbm.at[idx_v.at[pl.ds((j0 + 1) * SC_CH, SC_CH)]],
            bufb_v, semb).wait()
        writeback(j0 + 1, bufb_v)
        return carry

    lax.fori_loop(0, SC_NCHUNK // 2, pair, 0)
    pltpu.make_async_copy(pre_hbm.at[idx_v.at[pl.ds(0, SC_CH)]],
                          bufa_v, sema).wait()


def _sc_call(pre, xyzc, idx1d, mask1d):
    mesh = plsc.VectorSubcoreMesh(core_axis_name="c", subcore_axis_name="s")
    fn = pl.kernel(
        _sc_body,
        mesh=mesh,
        out_type=[
            jax.ShapeDtypeStruct((EE, 2 * NF), jnp.float32),
            jax.ShapeDtypeStruct((RBF_ROWS, 128), jnp.float32),
            jax.ShapeDtypeStruct((EV_ROWS, 128), jnp.float32),
        ],
        scratch_types=[
            pltpu.VMEM((NP * 4 // 128, 128), jnp.float32),
            pltpu.VMEM((SC_PER_W,), jnp.int32),
            pltpu.VMEM((SC_PER_W,), jnp.float32),
            pltpu.VMEM((SC_CH, 2 * NF), jnp.float32),
            pltpu.VMEM((SC_CH, 2 * NF), jnp.float32),
            pltpu.VMEM((GE_CH * KK // 128, 128), jnp.float32),
            pltpu.VMEM((GE_CH * 4 // 128, 128), jnp.float32),
            pltpu.SemaphoreType.DMA,
            pltpu.SemaphoreType.DMA,
        ],
        compiler_params=pltpu.CompilerParams(needs_layout_passes=False),
    )
    return fn(pre, xyzc, idx1d, mask1d)



def _edge_body(pre_e_ref, rbf_ref, ev_ref, feat_ref,
               wf1_ref, wf2_ref, wc0_ref, wc1_ref, wo0_ref, wo1_ref,
               out_ref):
    BE = KK * BN
    pw = lax.bitcast_convert_type(pre_e_ref[...].reshape(BE, 2 * NF),
                                  jnp.uint32)
    flo = lax.bitcast_convert_type(pw << 16, jnp.float32)
    fhi = lax.bitcast_convert_type(pw & jnp.uint32(0xFFFF0000),
                                   jnp.float32)
    rbf = rbf_ref[...].reshape(BE, KK)
    ev4 = ev_ref[...].reshape(BE, 4)

    fr = jnp.dot(_ssp(jnp.dot(rbf, wf1_ref[...],
                              preferred_element_type=jnp.float32)),
                 wf2_ref[...], preferred_element_type=jnp.float32)

    s1 = flo[:, :NF]
    v1 = [flo[:, NF:], fhi[:, :NF], fhi[:, NF:]]
    ev = [jnp.broadcast_to(ev4[:, c:c + 1], (BE, NF)) for c in range(3)]

    p0 = s1 * fr
    p = [v1[c] * fr for c in range(3)]
    ch = [p0,
          p[0] * ev[0] + p[1] * ev[1] + p[2] * ev[2],
          ev[0] * p0, ev[1] * p0, ev[2] * p0,
          p[0], p[1], p[2],
          p[1] * ev[2] - p[2] * ev[1],
          p[2] * ev[0] - p[0] * ev[2],
          p[0] * ev[1] - p[1] * ev[0]]

    def ksum(x):
        acc = x[0:BN]
        for k in range(1, KK):
            acc = acc + x[k * BN:(k + 1) * BN]
        return acc

    acc_sa = ksum(ch[0])
    acc_sb = ksum(ch[1])
    acc01 = [ksum(ch[2 + c]) for c in range(3)]
    acc10 = [ksum(ch[5 + c]) for c in range(3)]
    acc11 = [ksum(ch[8 + c]) for c in range(3)]

    wc0 = wc0_ref[...]
    wc1 = wc1_ref[...]
    conv_s = jnp.dot(jnp.concatenate([acc_sa, acc_sb], axis=-1), wc0,
                     preferred_element_type=jnp.float32)
    conv_v = [jnp.dot(jnp.concatenate([acc01[c], acc10[c], acc11[c]], axis=-1),
                      wc1, preferred_element_type=jnp.float32)
              for c in range(3)]

    inv_norm = jnp.sqrt(conv_v[0] * conv_v[0] + conv_v[1] * conv_v[1]
                        + conv_v[2] * conv_v[2] + 1e-12)
    g0 = _ssp(conv_s)
    g1 = _ssp(inv_norm)
    wo0 = wo0_ref[...]
    wo1 = wo1_ref[...]
    so = jnp.dot(conv_s * g0, wo0, preferred_element_type=jnp.float32)
    vo = [jnp.dot(conv_v[c] * g1, wo1, preferred_element_type=jnp.float32)
          for c in range(3)]
    out_ref[...] = feat_ref[...] + jnp.concatenate([so] + vo, axis=-1)


def _edge_call(pre_e, rbf_e, ev_e, feat_pad,
               W_f1, W_f2, Wc0, Wc1, Wo0, Wo1):
    return pl.pallas_call(
        _edge_body,
        grid=(GRID,),
        in_specs=[
            pl.BlockSpec((KK, BN, 2 * NF), lambda i: (0, i, 0)),
            pl.BlockSpec((KK, BN, KK), lambda i: (0, i, 0)),
            pl.BlockSpec((KK, BN, 4), lambda i: (0, i, 0)),
            pl.BlockSpec((BN, 4 * NF), lambda i: (i, 0)),
            pl.BlockSpec((KK, NF), lambda i: (0, 0)),
            pl.BlockSpec((NF, NF), lambda i: (0, 0)),
            pl.BlockSpec((2 * NF, NF), lambda i: (0, 0)),
            pl.BlockSpec((3 * NF, NF), lambda i: (0, 0)),
            pl.BlockSpec((NF, NF), lambda i: (0, 0)),
            pl.BlockSpec((NF, NF), lambda i: (0, 0)),
        ],
        out_specs=pl.BlockSpec((BN, 4 * NF), lambda i: (i, 0)),
        out_shape=jax.ShapeDtypeStruct((NP, 4 * NF), jnp.float32),
    )(pre_e, rbf_e, ev_e, feat_pad, W_f1, W_f2, Wc0, Wc1, Wo0, Wo1)



def kernel(xyz, feat, edge_mask, W_f1, W_f2, Wpre0, Wpre1, Wc0, Wc1,
           Wo0, Wo1, nbr_idx):
    xyzc = jnp.zeros((NP, 4), jnp.float32).at[:NN, 0:3].set(xyz)
    xyzc = xyzc.reshape(NP * 4 // 128, 128)
    idx1d = jnp.zeros((KK, NP), jnp.int32).at[:, :NN].set(
        nbr_idx.T.astype(jnp.int32)).reshape(EE)
    mask1d = jnp.zeros((KK, NP), jnp.float32).at[:, :NN].set(
        edge_mask.T).reshape(EE)
    feat_pad = jnp.zeros((NP, 4 * NF), jnp.float32).at[:NN].set(feat)

    pre = _pre_call(feat, Wpre0, Wpre1)
    pre_e, rbf_e, ev_e = _sc_call(pre, xyzc, idx1d, mask1d)
    out = _edge_call(pre_e.reshape(KK, NP, 2 * NF),
                     rbf_e.reshape(KK, NP, KK),
                     ev_e.reshape(KK, NP, 4),
                     feat_pad,
                     W_f1, W_f2, Wc0, Wc1, Wo0, Wo1)
    return out[:NN]

# --- scband reference (transcript-rebuilt; emitter-appended) ---
"""Pipeline reference for scband-se3-layer-31215822307958 (READ-ONLY COPY).

The authoritative reference and input builder live on the scoring server;
editing this copy changes nothing except your own understanding.
"""

import jax, jax.numpy as jnp
import numpy as np

N = 10000
K = 16
NF = 64

def ssp(x):
    return jax.nn.softplus(x) - jnp.log(2.0)

def poly_env(r):
    return jnp.where(r < 1.0, 1.0 - 10.0 * r**3 + 15.0 * r**4 - 6.0 * r**5, 0.0)

def ielin(x, W0, W1):
    # Irreducible equivariant linear for l<=1, m-major layout: [n0 scalars | 3 * n1 vectors]
    n0 = W0.shape[0]
    n1 = W1.shape[0]
    s = x[..., :n0] @ W0
    v = x[..., n0:].reshape(x.shape[:-1] + (3, n1)) @ W1
    return jnp.concatenate([s, v.reshape(x.shape[:-1] + (3 * W1.shape[1],))], axis=-1)

def levi_civita_coupler(x1, x2, nf):
    s1 = x1[..., :nf]
    v1 = x1[..., nf:].reshape(x1.shape[:-1] + (3, nf))
    s2 = x2[..., :nf]
    v2 = x2[..., nf:].reshape(x2.shape[:-1] + (3, nf))
    # overlap_out=False -> metadata [2*nf, 3*nf]
    out_s = jnp.concatenate([s1 * s2, jnp.sum(v1 * v2, axis=-2)], axis=-1)
    v01 = s1[..., None, :] * v2
    v10 = v1 * s2[..., None, :]
    v11 = jnp.cross(v1, v2, axis=-2)
    out_v = jnp.concatenate([v01, v10, v11], axis=-1)
    return jnp.concatenate([out_s, out_v.reshape(x1.shape[:-1] + (9 * nf,))], axis=-1)

def _forward(xyz, feat, edge_mask, W_f1, W_f2, Wpre0, Wpre1, Wc0, Wc1, Wo0, Wo1, nbr_idx):
    nf = NF
    src_xyz = xyz[nbr_idx]                      # [N, K, 3] gather
    r_ij = src_xyz - xyz[:, None, :]
    d = jnp.sqrt(jnp.sum(r_ij**2, axis=2, keepdims=True) + 1e-12)  # [N, K, 1]
    r_hat = r_ij / d
    pre = ielin(feat, Wpre0, Wpre1)             # [N, 4*nf]
    pre_e = pre[nbr_idx]                        # [N, K, 4*nf] gather
    freqs = jnp.arange(16, dtype=xyz.dtype).reshape(1, 1, -1)
    rbf = jnp.sin(d / 5.0 * freqs) / d * poly_env(d / 5.0)          # [N, K, 16]
    fr = ssp(rbf @ W_f1) @ W_f2                 # [N, K, nf]
    # real spherical harmonics l<=1 on unit vectors, m-major: [1, y, z, x]
    rsh = jnp.concatenate([jnp.ones_like(d), r_hat[..., 1:2], r_hat[..., 2:3], r_hat[..., 0:1]], axis=-1)
    filters = (rsh[..., :, None] * fr[..., None, :]).reshape(fr.shape[:-1] + (4 * nf,))
    coup = levi_civita_coupler(pre_e, filters, nf)                  # [N, K, 11*nf]
    post0 = ielin(coup, Wc0, Wc1)               # [N, K, 4*nf]
    conv = jnp.sum(post0 * edge_mask[..., None], axis=1)            # [N, 4*nf]
    s = conv[..., :nf]
    v = conv[..., nf:].reshape(conv.shape[:-1] + (3, nf))
    inv = jnp.concatenate([s, jnp.sqrt(jnp.sum(v**2, axis=-2) + 1e-12)], axis=-1)
    gate = ssp(inv)                             # [N, 2*nf]
    g0 = gate[..., :nf]
    g1 = gate[..., nf:]
    conv = jnp.concatenate([s * g0, (v * g1[..., None, :]).reshape(conv.shape[:-1] + (3 * nf,))], axis=-1)
    conv = ielin(conv, Wo0, Wo1)
    return feat + conv

def setup_inputs(seed: int = 0):
    key = jax.random.key(seed)
    ks = jax.random.split(key, 12)
    xyz = jax.random.normal(ks[0], (N, 3), dtype=jnp.float32)
    feat = jax.random.normal(ks[1], (N, 4 * NF), dtype=jnp.float32)
    offs = jax.random.randint(ks[2], (N, K), 1, N)
    nbr_idx = (jnp.arange(N, dtype=jnp.int32)[:, None] + offs.astype(jnp.int32)) % N  # no self-loops -> d_ij > 0
    edge_mask = jnp.ones((N, K), dtype=jnp.float32)
    def w(k, fi, fo):
        return jax.random.normal(k, (fi, fo), dtype=jnp.float32) / np.sqrt(fi)
    return {
        'xyz': xyz, 'feat': feat, 'edge_mask': edge_mask,
        'W_f1': w(ks[3], 16, NF), 'W_f2': w(ks[4], NF, NF),
        'Wpre0': w(ks[5], NF, NF), 'Wpre1': w(ks[6], NF, NF),
        'Wc0': w(ks[7], 2 * NF, NF), 'Wc1': w(ks[8], 3 * NF, NF),
        'Wo0': w(ks[9], NF, NF), 'Wo1': w(ks[10], NF, NF),
        'nbr_idx': nbr_idx,
    }

def reference(xyz, feat, edge_mask, W_f1, W_f2, Wpre0, Wpre1, Wc0, Wc1, Wo0, Wo1, nbr_idx):
    return _forward(xyz, feat, edge_mask, W_f1, W_f2, Wpre0, Wpre1, Wc0, Wc1, Wo0, Wo1, nbr_idx)

if __name__ == "__main__":
    import jax
    _d = setup_inputs()
    print(jax.jit(kernel)(*tuple(_d.values())))

</pallas_src>

<mosaic_0001>
#map = affine_map<(d0, d1) -> (0, 0)>
#map1 = affine_map<(d0, d1) -> (0)>
module attributes {stable_mosaic.version = 14 : i64} {
  func.func @_sc_body(%arg0: i32, %arg1: i32, %arg2: memref<10000x128xf32, #tpu.memory_space<hbm>>, %arg3: memref<320x128xf32, #tpu.memory_space<hbm>>, %arg4: memref<163840xi32, #tpu.memory_space<hbm>>, %arg5: memref<163840xf32, #tpu.memory_space<hbm>>, %arg6: memref<163840x128xf32, #tpu.memory_space<hbm>>, %arg7: memref<20480x128xf32, #tpu.memory_space<hbm>>, %arg8: memref<5120x128xf32, #tpu.memory_space<hbm>>, %arg9: memref<320x128xf32, #tpu.memory_space<vmem>>, %arg10: memref<5120xi32, #tpu.memory_space<vmem>>, %arg11: memref<5120xf32, #tpu.memory_space<vmem>>, %arg12: memref<40x128xf32, #tpu.memory_space<vmem>>, %arg13: memref<40x128xf32, #tpu.memory_space<vmem>>, %arg14: memref<32x128xf32, #tpu.memory_space<vmem>>, %arg15: memref<8x128xf32, #tpu.memory_space<vmem>>, %arg16: memref<!tpu.dma_semaphore, #tpu.memory_space<semaphore_mem>>, %arg17: memref<!tpu.dma_semaphore, #tpu.memory_space<semaphore_mem>>) attributes {dimension_semantics = [#tpu.dimension_semantics<core_parallel>, #tpu.dimension_semantics<subcore_parallel>], iteration_bounds = array<i64: 2, 16>, scalar_prefetch = 0 : i64, scratch_operands = 9 : i64, tpu.core_type = #tpu.core_type<sc_vector_subcore>, window_params = [{transform_indices = #map}, {transform_indices = #map}, {transform_indices = #map1}, {transform_indices = #map1}, {transform_indices = #map}, {transform_indices = #map}, {transform_indices = #map}]} {
    %mul3A = arith.constant 2 : i32
    %mul3A_0 = arith.muli %arg1, %mul3A : i32
    %add3A = arith.addi %mul3A_0, %arg0 : i32
    %mul3A_1 = arith.constant 5120 : i32
    %mul3A_2 = arith.muli %add3A, %mul3A_1 : i32
    "tpu.region"() ({
      %run_scoped3A = tpu.sem_alloc : memref<!tpu.dma_semaphore, #tpu.memory_space<semaphore_mem>>
      tpu.enqueue_dma source(%arg3 : memref<320x128xf32, #tpu.memory_space<hbm>>) target(%arg9 : memref<320x128xf32, #tpu.memory_space<vmem>>) target_semaphore(%run_scoped3A : memref<!tpu.dma_semaphore, #tpu.memory_space<semaphore_mem>>)
      tpu.wait_dma2 semaphore(%run_scoped3A : memref<!tpu.dma_semaphore, #tpu.memory_space<semaphore_mem>>) src(%arg3 : memref<320x128xf32, #tpu.memory_space<hbm>>) dst(%arg9 : memref<320x128xf32, #tpu.memory_space<vmem>>)
      tpu.yield
    }) : () -> ()
    "tpu.region"() ({
      %run_scoped3A = tpu.sem_alloc : memref<!tpu.dma_semaphore, #tpu.memory_space<semaphore_mem>>
      %dma_start3A_48 = tpu.memref_slice %arg4[%mul3A_2] : memref<163840xi32, #tpu.memory_space<hbm>> -> memref<5120xi32, #tpu.memory_space<hbm>>
      %dma_start3A_49 = tpu.memref_slice %arg4[%mul3A_2] : memref<163840xi32, #tpu.memory_space<hbm>> -> memref<5120xi32, #tpu.memory_space<hbm>>
      tpu.enqueue_dma source(%dma_start3A_49 : memref<5120xi32, #tpu.memory_space<hbm>>) target(%arg10 : memref<5120xi32, #tpu.memory_space<vmem>>) target_semaphore(%run_scoped3A : memref<!tpu.dma_semaphore, #tpu.memory_space<semaphore_mem>>)
      %dma_wait3A_50 = tpu.memref_slice %arg4[%mul3A_2] : memref<163840xi32, #tpu.memory_space<hbm>> -> memref<5120xi32, #tpu.memory_space<hbm>>
      %dma_wait3A_51 = tpu.memref_slice %arg4[%mul3A_2] : memref<163840xi32, #tpu.memory_space<hbm>> -> memref<5120xi32, #tpu.memory_space<hbm>>
      tpu.wait_dma2 semaphore(%run_scoped3A : memref<!tpu.dma_semaphore, #tpu.memory_space<semaphore_mem>>) src(%dma_wait3A_51 : memref<5120xi32, #tpu.memory_space<hbm>>) dst(%arg10 : memref<5120xi32, #tpu.memory_space<vmem>>)
      tpu.yield
    }) : () -> ()
    "tpu.region"() ({
      %run_scoped3A = tpu.sem_alloc : memref<!tpu.dma_semaphore, #tpu.memory_space<semaphore_mem>>
      %dma_start3A_48 = tpu.memref_slice %arg5[%mul3A_2] : memref<163840xf32, #tpu.memory_space<hbm>> -> memref<5120xf32, #tpu.memory_space<hbm>>
      %dma_start3A_49 = tpu.memref_slice %arg5[%mul3A_2] : memref<163840xf32, #tpu.memory_space<hbm>> -> memref<5120xf32, #tpu.memory_space<hbm>>
      tpu.enqueue_dma source(%dma_start3A_49 : memref<5120xf32, #tpu.memory_space<hbm>>) target(%arg11 : memref<5120xf32, #tpu.memory_space<vmem>>) target_semaphore(%run_scoped3A : memref<!tpu.dma_semaphore, #tpu.memory_space<semaphore_mem>>)
      %dma_wait3A_50 = tpu.memref_slice %arg5[%mul3A_2] : memref<163840xf32, #tpu.memory_space<hbm>> -> memref<5120xf32, #tpu.memory_space<hbm>>
      %dma_wait3A_51 = tpu.memref_slice %arg5[%mul3A_2] : memref<163840xf32, #tpu.memory_space<hbm>> -> memref<5120xf32, #tpu.memory_space<hbm>>
      tpu.wait_dma2 semaphore(%run_scoped3A : memref<!tpu.dma_semaphore, #tpu.memory_space<semaphore_mem>>) src(%dma_wait3A_51 : memref<5120xf32, #tpu.memory_space<hbm>>) dst(%arg11 : memref<5120xf32, #tpu.memory_space<vmem>>)
      tpu.yield
    }) : () -> ()
    %iota3A = tpu.iota {dimensions = array<i32: 0>} : vector<16xi32>
    %broadcast_in_dim3A = arith.constant 0 : i32
    %broadcast_in_dim3A_3 = vector.broadcast %broadcast_in_dim3A : i32 to vector<16xi32>
    %add3A_4 = arith.constant 1 : i32
    %add3A_5 = vector.broadcast %add3A_4 : i32 to vector<16xi32>
    %add3A_6 = arith.addi %broadcast_in_dim3A_3, %add3A_5 : vector<16xi32>
    %add3A_7 = arith.constant 2 : i32
    %add3A_8 = vector.broadcast %add3A_7 : i32 to vector<16xi32>
    %add3A_9 = arith.addi %broadcast_in_dim3A_3, %add3A_8 : vector<16xi32>
    %jit3A = arith.constant 10240 : i32
    %div3A = arith.divsi %mul3A_2, %jit3A : i32
    %sign3A = arith.constant 0 : i32
    %sign3A_10 = arith.cmpi sgt, %mul3A_2, %sign3A : i32
    %sign3A_11 = arith.extui %sign3A_10 : i1 to i32
    %sign3A_12 = arith.constant 0 : i32
    %sign3A_13 = arith.cmpi slt, %mul3A_2, %sign3A_12 : i32
    %sign3A_14 = arith.extui %sign3A_13 : i1 to i32
    %sign3A_15 = arith.subi %sign3A_11, %sign3A_14 : i32
    %sign3A_16 = arith.constant 0 : i32
    %sign3A_17 = arith.cmpi sgt, %jit3A, %sign3A_16 : i32
    %sign3A_18 = arith.extui %sign3A_17 : i1 to i32
    %sign3A_19 = arith.constant 0 : i32
    %sign3A_20 = arith.cmpi slt, %jit3A, %sign3A_19 : i32
    %sign3A_21 = arith.extui %sign3A_20 : i1 to i32
    %sign3A_22 = arith.subi %sign3A_18, %sign3A_21 : i32
    %ne3A = arith.cmpi ne, %sign3A_15, %sign3A_22 : i32
    %rem3A = arith.remsi %mul3A_2, %jit3A : i32
    %ne3A_23 = arith.constant 0 : i32
    %ne3A_24 = arith.cmpi ne, %rem3A, %ne3A_23 : i32
    %and3A = arith.andi %ne3A, %ne3A_24 : i1
    %sub3A = arith.constant 1 : i32
    %sub3A_25 = arith.subi %div3A, %sub3A : i32
    %select_n3A = arith.select %and3A, %sub3A_25, %div3A : i32
    %mul3A_26 = arith.constant 10240 : i32
    %mul3A_27 = arith.muli %select_n3A, %mul3A_26 : i32
    %sub3A_28 = arith.subi %mul3A_2, %mul3A_27 : i32
    %scan3A = arith.constant 0 : i32
    %scan3A_29 = arith.constant 0 : i32
    %scan3A_30 = arith.constant 20 : i32
    %scan3A_31 = arith.addi %scan3A_29, %scan3A_30 : i32
    %scan3A_32 = arith.constant 1 : i32
    scf.for %scan3A_48 = %scan3A_29 to %scan3A_31 step %scan3A_32  : i32 {
      %mul3A_49 = arith.constant 256 : i32
      %mul3A_50 = arith.muli %scan3A_48, %mul3A_49 : i32
      %scan3A_51 = arith.constant 0 : i32
      %scan3A_52 = arith.constant 0 : i32
      %scan3A_53 = arith.constant 16 : i32
      %scan3A_54 = arith.addi %scan3A_52, %scan3A_53 : i32
      %scan3A_55 = arith.constant 1 : i32
      scf.for %scan3A_67 = %scan3A_52 to %scan3A_54 step %scan3A_55  : i32 {
        %mul3A_68 = arith.constant 16 : i32
        %mul3A_69 = arith.muli %scan3A_67, %mul3A_68 : i32
        %add3A_70 = arith.addi %mul3A_50, %mul3A_69 : i32
        %mul3A_71 = arith.constant 16 : i32
        %mul3A_72 = arith.muli %scan3A_67, %mul3A_71 : i32
        %get3A = arith.index_cast %add3A_70 : i32 to index
        %get3A_73 = tpu.vector_load %arg10[%get3A] {strides = array<i32>} : memref<5120xi32, #tpu.memory_space<vmem>>, vector<16xi32>,
        %shift_left3A = arith.constant 2 : i32
        %shift_left3A_74 = vector.broadcast %shift_left3A : i32 to vector<16xi32>
        %shift_left3A_75 = arith.shli %get3A_73, %shift_left3A_74 : vector<16xi32>
        %shift_right_logical3A = arith.constant 7 : i32
        %shift_right_logical3A_76 = vector.broadcast %shift_right_logical3A : i32 to vector<16xi32>
        %shift_right_logical3A_77 = arith.shrui %shift_left3A_75, %shift_right_logical3A_76 : vector<16xi32>
        %and3A_78 = arith.constant 127 : i32
        %and3A_79 = vector.broadcast %and3A_78 : i32 to vector<16xi32>
        %and3A_80 = arith.andi %shift_left3A_75, %and3A_79 : vector<16xi32>
        %gather3A = tpu.vector_load_idx %arg9[%shift_right_logical3A_77, %and3A_80] : memref<320x128xf32, #tpu.memory_space<vmem>>[vector<16xi32>, vector<16xi32>], vector<16xf32>,
        %add3A_81 = arith.constant 1 : i32
        %add3A_82 = vector.broadcast %add3A_81 : i32 to vector<16xi32>
        %add3A_83 = arith.addi %shift_left3A_75, %add3A_82 : vector<16xi32>
        %shift_right_logical3A_84 = arith.constant 7 : i32
        %shift_right_logical3A_85 = vector.broadcast %shift_right_logical3A_84 : i32 to vector<16xi32>
        %shift_right_logical3A_86 = arith.shrui %add3A_83, %shift_right_logical3A_85 : vector<16xi32>
        %and3A_87 = arith.constant 127 : i32
        %and3A_88 = vector.broadcast %and3A_87 : i32 to vector<16xi32>
        %and3A_89 = arith.andi %add3A_83, %and3A_88 : vector<16xi32>
        %gather3A_90 = tpu.vector_load_idx %arg9[%shift_right_logical3A_86, %and3A_89] : memref<320x128xf32, #tpu.memory_space<vmem>>[vector<16xi32>, vector<16xi32>], vector<16xf32>,
        %add3A_91 = arith.constant 2 : i32
        %add3A_92 = vector.broadcast %add3A_91 : i32 to vector<16xi32>
        %add3A_93 = arith.addi %shift_left3A_75, %add3A_92 : vector<16xi32>
        %shift_right_logical3A_94 = arith.constant 7 : i32
        %shift_right_logical3A_95 = vector.broadcast %shift_right_logical3A_94 : i32 to vector<16xi32>
        %shift_right_logical3A_96 = arith.shrui %add3A_93, %shift_right_logical3A_95 : vector<16xi32>
        %and3A_97 = arith.constant 127 : i32
        %and3A_98 = vector.broadcast %and3A_97 : i32 to vector<16xi32>
        %and3A_99 = arith.andi %add3A_93, %and3A_98 : vector<16xi32>
        %gather3A_100 = tpu.vector_load_idx %arg9[%shift_right_logical3A_96, %and3A_99] : memref<320x128xf32, #tpu.memory_space<vmem>>[vector<16xi32>, vector<16xi32>], vector<16xf32>,
        %add3A_101 = arith.addi %sub3A_28, %add3A_70 : i32
        %add3A_102 = vector.broadcast %add3A_101 : i32 to vector<16xi32>
        %add3A_103 = arith.addi %add3A_102, %iota3A : vector<16xi32>
        %shift_left3A_104 = arith.constant 2 : i32
        %shift_left3A_105 = vector.broadcast %shift_left3A_104 : i32 to vector<16xi32>
        %shift_left3A_106 = arith.shli %add3A_103, %shift_left3A_105 : vector<16xi32>
        %shift_right_logical3A_107 = arith.constant 7 : i32
        %shift_right_logical3A_108 = vector.broadcast %shift_right_logical3A_107 : i32 to vector<16xi32>
        %shift_right_logical3A_109 = arith.shrui %shift_left3A_106, %shift_right_logical3A_108 : vector<16xi32>
        %and3A_110 = arith.constant 127 : i32
        %and3A_111 = vector.broadcast %and3A_110 : i32 to vector<16xi32>
        %and3A_112 = arith.andi %shift_left3A_106, %and3A_111 : vector<16xi32>
        %gather3A_113 = tpu.vector_load_idx %arg9[%shift_right_logical3A_109, %and3A_112] : memref<320x128xf32, #tpu.memory_space<vmem>>[vector<16xi32>, vector<16xi32>], vector<16xf32>,
        %add3A_114 = arith.constant 1 : i32
        %add3A_115 = vector.broadcast %add3A_114 : i32 to vector<16xi32>
        %add3A_116 = arith.addi %shift_left3A_106, %add3A_115 : vector<16xi32>
        %shift_right_logical3A_117 = arith.constant 7 : i32
        %shift_right_logical3A_118 = vector.broadcast %shift_right_logical3A_117 : i32 to vector<16xi32>
        %shift_right_logical3A_119 = arith.shrui %add3A_116, %shift_right_logical3A_118 : vector<16xi32>
        %and3A_120 = arith.constant 127 : i32
        %and3A_121 = vector.broadcast %and3A_120 : i32 to vector<16xi32>
        %and3A_122 = arith.andi %add3A_116, %and3A_121 : vector<16xi32>
        %gather3A_123 = tpu.vector_load_idx %arg9[%shift_right_logical3A_119, %and3A_122] : memref<320x128xf32, #tpu.memory_space<vmem>>[vector<16xi32>, vector<16xi32>], vector<16xf32>,
        %add3A_124 = arith.constant 2 : i32
        %add3A_125 = vector.broadcast %add3A_124 : i32 to vector<16xi32>
        %add3A_126 = arith.addi %shift_left3A_106, %add3A_125 : vector<16xi32>
        %shift_right_logical3A_127 = arith.constant 7 : i32
        %shift_right_logical3A_128 = vector.broadcast %shift_right_logical3A_127 : i32 to vector<16xi32>
        %shift_right_logical3A_129 = arith.shrui %add3A_126, %shift_right_logical3A_128 : vector<16xi32>
        %and3A_130 = arith.constant 127 : i32
        %and3A_131 = vector.broadcast %and3A_130 : i32 to vector<16xi32>
        %and3A_132 = arith.andi %add3A_126, %and3A_131 : vector<16xi32>
        %gather3A_133 = tpu.vector_load_idx %arg9[%shift_right_logical3A_129, %and3A_132] : memref<320x128xf32, #tpu.memory_space<vmem>>[vector<16xi32>, vector<16xi32>], vector<16xf32>,
        %get3A_134 = arith.index_cast %add3A_70 : i32 to index
        %get3A_135 = tpu.vector_load %arg11[%get3A_134] {strides = array<i32>} : memref<5120xf32, #tpu.memory_space<vmem>>, vector<16xf32>,
        %sub3A_136 = arith.subf %gather3A, %gather3A_113 : vector<16xf32>
        %sub3A_137 = arith.subf %gather3A_90, %gather3A_123 : vector<16xf32>
        %sub3A_138 = arith.subf %gather3A_100, %gather3A_133 : vector<16xf32>
        %mul3A_139 = arith.mulf %sub3A_136, %sub3A_136 : vector<16xf32>
        %mul3A_140 = arith.mulf %sub3A_137, %sub3A_137 : vector<16xf32>
        %add3A_141 = arith.addf %mul3A_139, %mul3A_140 : vector<16xf32>
        %mul3A_142 = arith.mulf %sub3A_138, %sub3A_138 : vector<16xf32>
        %add3A_143 = arith.addf %add3A_141, %mul3A_142 : vector<16xf32>
        %add3A_144 = arith.constant 9.99999996E-13 : f32
        %add3A_145 = vector.broadcast %add3A_144 : f32 to vector<16xf32>
        %add3A_146 = arith.addf %add3A_143, %add3A_145 : vector<16xf32>
        %bitcast3A = vector.bitcast %add3A_146 : vector<16xf32> to vector<16xi32>
        %shift_right_logical3A_147 = arith.constant 1 : i32
        %shift_right_logical3A_148 = vector.broadcast %shift_right_logical3A_147 : i32 to vector<16xi32>
        %shift_right_logical3A_149 = arith.shrui %bitcast3A, %shift_right_logical3A_148 : vector<16xi32>
        %sub3A_150 = arith.constant 1597463007 : i32
        %sub3A_151 = vector.broadcast %sub3A_150 : i32 to vector<16xi32>
        %sub3A_152 = arith.subi %sub3A_151, %shift_right_logical3A_149 : vector<16xi32>
        %bitcast3A_153 = vector.bitcast %sub3A_152 : vector<16xi32> to vector<16xf32>
        %mul3A_154 = arith.constant 5.000000e-01 : f32
        %mul3A_155 = vector.broadcast %mul3A_154 : f32 to vector<16xf32>
        %mul3A_156 = arith.mulf %mul3A_155, %add3A_146 : vector<16xf32>
        %mul3A_157 = arith.mulf %mul3A_156, %bitcast3A_153 : vector<16xf32>
        %mul3A_158 = arith.mulf %mul3A_157, %bitcast3A_153 : vector<16xf32>
        %sub3A_159 = arith.constant 1.500000e+00 : f32
        %sub3A_160 = vector.broadcast %sub3A_159 : f32 to vector<16xf32>
        %sub3A_161 = arith.subf %sub3A_160, %mul3A_158 : vector<16xf32>
        %mul3A_162 = arith.mulf %bitcast3A_153, %sub3A_161 : vector<16xf32>
        %mul3A_163 = arith.mulf %mul3A_156, %mul3A_162 : vector<16xf32>
        %mul3A_164 = arith.mulf %mul3A_163, %mul3A_162 : vector<16xf32>
        %sub3A_165 = arith.constant 1.500000e+00 : f32
        %sub3A_166 = vector.broadcast %sub3A_165 : f32 to vector<16xf32>
        %sub3A_167 = arith.subf %sub3A_166, %mul3A_164 : vector<16xf32>
        %mul3A_168 = arith.mulf %mul3A_162, %sub3A_167 : vector<16xf32>
        %mul3A_169 = arith.mulf %mul3A_156, %mul3A_168 : vector<16xf32>
        %mul3A_170 = arith.mulf %mul3A_169, %mul3A_168 : vector<16xf32>
        %sub3A_171 = arith.constant 1.500000e+00 : f32
        %sub3A_172 = vector.broadcast %sub3A_171 : f32 to vector<16xf32>
        %sub3A_173 = arith.subf %sub3A_172, %mul3A_170 : vector<16xf32>
        %mul3A_174 = arith.mulf %mul3A_168, %sub3A_173 : vector<16xf32>
        %mul3A_175 = arith.mulf %add3A_146, %mul3A_174 : vector<16xf32>
        %mul3A_176 = arith.constant 2.000000e-01 : f32
        %mul3A_177 = vector.broadcast %mul3A_176 : f32 to vector<16xf32>
        %mul3A_178 = arith.mulf %mul3A_175, %mul3A_177 : vector<16xf32>
        %mul3A_179 = arith.mulf %mul3A_178, %mul3A_178 : vector<16xf32>
        %mul3A_180 = arith.mulf %mul3A_179, %mul3A_178 : vector<16xf32>
        %lt3A = arith.constant 1.000000e+00 : f32
        %lt3A_181 = vector.broadcast %lt3A : f32 to vector<16xf32>
        %lt3A_182 = arith.cmpf olt, %mul3A_178, %lt3A_181 : vector<16xf32>
        %mul3A_183 = arith.constant 1.000000e+01 : f32
        %mul3A_184 = vector.broadcast %mul3A_183 : f32 to vector<16xf32>
        %mul3A_185 = arith.mulf %mul3A_184, %mul3A_180 : vector<16xf32>
        %sub3A_186 = arith.constant 1.000000e+00 : f32
        %sub3A_187 = vector.broadcast %sub3A_186 : f32 to vector<16xf32>
        %sub3A_188 = arith.subf %sub3A_187, %mul3A_185 : vector<16xf32>
        %mul3A_189 = arith.constant 1.500000e+01 : f32
        %mul3A_190 = vector.broadcast %mul3A_189 : f32 to vector<16xf32>
        %mul3A_191 = arith.mulf %mul3A_190, %mul3A_180 : vector<16xf32>
        %mul3A_192 = arith.mulf %mul3A_191, %mul3A_178 : vector<16xf32>
        %add3A_193 = arith.addf %sub3A_188, %mul3A_192 : vector<16xf32>
        %mul3A_194 = arith.constant 6.000000e+00 : f32
        %mul3A_195 = vector.broadcast %mul3A_194 : f32 to vector<16xf32>
        %mul3A_196 = arith.mulf %mul3A_195, %mul3A_180 : vector<16xf32>
        %mul3A_197 = arith.mulf %mul3A_196, %mul3A_178 : vector<16xf32>
        %mul3A_198 = arith.mulf %mul3A_197, %mul3A_178 : vector<16xf32>
        %sub3A_199 = arith.subf %add3A_193, %mul3A_198 : vector<16xf32>
        %jit3A_200 = arith.constant 0.000000e+00 : f32
        %broadcast_in_dim3A_201 = vector.broadcast %jit3A_200 : f32 to vector<16xf32>
        %select_n3A_202 = arith.select %lt3A_182, %sub3A_199, %broadcast_in_dim3A_201 : vector<16xi1>, vector<16xf32>
        %mul3A_203 = arith.mulf %select_n3A_202, %mul3A_174 : vector<16xf32>
        %mul3A_204 = arith.mulf %mul3A_203, %get3A_135 : vector<16xf32>
        %add3A_205 = vector.broadcast %mul3A_72 : i32 to vector<16xi32>
        %add3A_206 = arith.addi %add3A_205, %iota3A : vector<16xi32>
        %mul3A_207 = arith.constant 4 : i32
        %mul3A_208 = vector.broadcast %mul3A_207 : i32 to vector<16xi32>
        %mul3A_209 = arith.muli %add3A_206, %mul3A_208 : vector<16xi32>
        %mul3A_210 = arith.mulf %sub3A_137, %mul3A_174 : vector<16xf32>
        %shift_right_logical3A_211 = arith.constant 7 : i32
        %shift_right_logical3A_212 = vector.broadcast %shift_right_logical3A_211 : i32 to vector<16xi32>
        %shift_right_logical3A_213 = arith.shrui %mul3A_209, %shift_right_logical3A_212 : vector<16xi32>
        %and3A_214 = arith.constant 127 : i32
        %and3A_215 = vector.broadcast %and3A_214 : i32 to vector<16xi32>
        %and3A_216 = arith.andi %mul3A_209, %and3A_215 : vector<16xi32>
        tpu.vector_store_idx %arg15[%shift_right_logical3A_213, %and3A_216], %mul3A_210 : memref<8x128xf32, #tpu.memory_space<vmem>>[vector<16xi32>, vector<16xi32>], vector<16xf32>,
        %add3A_217 = arith.constant 1 : i32
        %add3A_218 = vector.broadcast %add3A_217 : i32 to vector<16xi32>
        %add3A_219 = arith.addi %mul3A_209, %add3A_218 : vector<16xi32>
        %mul3A_220 = arith.mulf %sub3A_138, %mul3A_174 : vector<16xf32>
        %shift_right_logical3A_221 = arith.constant 7 : i32
        %shift_right_logical3A_222 = vector.broadcast %shift_right_logical3A_221 : i32 to vector<16xi32>
        %shift_right_logical3A_223 = arith.shrui %add3A_219, %shift_right_logical3A_222 : vector<16xi32>
        %and3A_224 = arith.constant 127 : i32
        %and3A_225 = vector.broadcast %and3A_224 : i32 to vector<16xi32>
        %and3A_226 = arith.andi %add3A_219, %and3A_225 : vector<16xi32>
        tpu.vector_store_idx %arg15[%shift_right_logical3A_223, %and3A_226], %mul3A_220 : memref<8x128xf32, #tpu.memory_space<vmem>>[vector<16xi32>, vector<16xi32>], vector<16xf32>,
        %add3A_227 = arith.constant 2 : i32
        %add3A_228 = vector.broadcast %add3A_227 : i32 to vector<16xi32>
        %add3A_229 = arith.addi %mul3A_209, %add3A_228 : vector<16xi32>
        %mul3A_230 = arith.mulf %sub3A_136, %mul3A_174 : vector<16xf32>
        %shift_right_logical3A_231 = arith.constant 7 : i32
        %shift_right_logical3A_232 = vector.broadcast %shift_right_logical3A_231 : i32 to vector<16xi32>
        %shift_right_logical3A_233 = arith.shrui %add3A_229, %shift_right_logical3A_232 : vector<16xi32>
        %and3A_234 = arith.constant 127 : i32
        %and3A_235 = vector.broadcast %and3A_234 : i32 to vector<16xi32>
        %and3A_236 = arith.andi %add3A_229, %and3A_235 : vector<16xi32>
        tpu.vector_store_idx %arg15[%shift_right_logical3A_233, %and3A_236], %mul3A_230 : memref<8x128xf32, #tpu.memory_space<vmem>>[vector<16xi32>, vector<16xi32>], vector<16xf32>,
        %min3A = arith.constant 1.000000e+00 : f32
        %min3A_237 = vector.broadcast %min3A : f32 to vector<16xf32>
        %min3A_238 = arith.minimumf %mul3A_178, %min3A_237 : vector<16xf32>
        %mul3A_239 = arith.mulf %min3A_238, %min3A_238 : vector<16xf32>
        %mul3A_240 = arith.constant 2.75573188E-6 : f32
        %mul3A_241 = vector.broadcast %mul3A_240 : f32 to vector<16xf32>
        %mul3A_242 = arith.mulf %mul3A_239, %mul3A_241 : vector<16xf32>
        %add3A_243 = arith.constant -1.98412701E-4 : f32
        %add3A_244 = vector.broadcast %add3A_243 : f32 to vector<16xf32>
        %add3A_245 = arith.addf %add3A_244, %mul3A_242 : vector<16xf32>
        %mul3A_246 = arith.mulf %mul3A_239, %add3A_245 : vector<16xf32>
        %add3A_247 = arith.constant 0.00833333377 : f32
        %add3A_248 = vector.broadcast %add3A_247 : f32 to vector<16xf32>
        %add3A_249 = arith.addf %add3A_248, %mul3A_246 : vector<16xf32>
        %mul3A_250 = arith.mulf %mul3A_239, %add3A_249 : vector<16xf32>
        %add3A_251 = arith.constant -0.166666672 : f32
        %add3A_252 = vector.broadcast %add3A_251 : f32 to vector<16xf32>
        %add3A_253 = arith.addf %add3A_252, %mul3A_250 : vector<16xf32>
        %mul3A_254 = arith.mulf %mul3A_239, %add3A_253 : vector<16xf32>
        %add3A_255 = arith.constant 1.000000e+00 : f32
        %add3A_256 = vector.broadcast %add3A_255 : f32 to vector<16xf32>
        %add3A_257 = arith.addf %add3A_256, %mul3A_254 : vector<16xf32>
        %mul3A_258 = arith.mulf %min3A_238, %add3A_257 : vector<16xf32>
        %mul3A_259 = arith.constant -2.755732E-7 : f32
        %mul3A_260 = vector.broadcast %mul3A_259 : f32 to vector<16xf32>
        %mul3A_261 = arith.mulf %mul3A_239, %mul3A_260 : vector<16xf32>
        %add3A_262 = arith.constant 2.48015876E-5 : f32
        %add3A_263 = vector.broadcast %add3A_262 : f32 to vector<16xf32>
        %add3A_264 = arith.addf %add3A_263, %mul3A_261 : vector<16xf32>
        %mul3A_265 = arith.mulf %mul3A_239, %add3A_264 : vector<16xf32>
        %add3A_266 = arith.constant -0.00138888892 : f32
        %add3A_267 = vector.broadcast %add3A_266 : f32 to vector<16xf32>
        %add3A_268 = arith.addf %add3A_267, %mul3A_265 : vector<16xf32>
        %mul3A_269 = arith.mulf %mul3A_239, %add3A_268 : vector<16xf32>
        %add3A_270 = arith.constant 0.0416666679 : f32
        %add3A_271 = vector.broadcast %add3A_270 : f32 to vector<16xf32>
        %add3A_272 = arith.addf %add3A_271, %mul3A_269 : vector<16xf32>
        %mul3A_273 = arith.mulf %mul3A_239, %add3A_272 : vector<16xf32>
        %add3A_274 = arith.constant -5.000000e-01 : f32
        %add3A_275 = vector.broadcast %add3A_274 : f32 to vector<16xf32>
        %add3A_276 = arith.addf %add3A_275, %mul3A_273 : vector<16xf32>
        %mul3A_277 = arith.mulf %mul3A_239, %add3A_276 : vector<16xf32>
        %add3A_278 = arith.constant 1.000000e+00 : f32
        %add3A_279 = vector.broadcast %add3A_278 : f32 to vector<16xf32>
        %add3A_280 = arith.addf %add3A_279, %mul3A_277 : vector<16xf32>
        %mul3A_281 = arith.constant 2.000000e+00 : f32
        %mul3A_282 = vector.broadcast %mul3A_281 : f32 to vector<16xf32>
        %mul3A_283 = arith.mulf %mul3A_282, %add3A_280 : vector<16xf32>
        %add3A_284 = vector.broadcast %mul3A_72 : i32 to vector<16xi32>
        %add3A_285 = arith.addi %add3A_284, %iota3A : vector<16xi32>
        %mul3A_286 = arith.constant 16 : i32
        %mul3A_287 = vector.broadcast %mul3A_286 : i32 to vector<16xi32>
        %mul3A_288 = arith.muli %add3A_285, %mul3A_287 : vector<16xi32>
        %broadcast_in_dim3A_289 = arith.constant 0.000000e+00 : f32
        %broadcast_in_dim3A_290 = vector.broadcast %broadcast_in_dim3A_289 : f32 to vector<16xf32>
        %shift_right_logical3A_291 = arith.constant 7 : i32
        %shift_right_logical3A_292 = vector.broadcast %shift_right_logical3A_291 : i32 to vector<16xi32>
        %shift_right_logical3A_293 = arith.shrui %mul3A_288, %shift_right_logical3A_292 : vector<16xi32>
        %and3A_294 = arith.constant 127 : i32
        %and3A_295 = vector.broadcast %and3A_294 : i32 to vector<16xi32>
        %and3A_296 = arith.andi %mul3A_288, %and3A_295 : vector<16xi32>
        tpu.vector_store_idx %arg14[%shift_right_logical3A_293, %and3A_296], %broadcast_in_dim3A_290 : memref<32x128xf32, #tpu.memory_space<vmem>>[vector<16xi32>, vector<16xi32>], vector<16xf32>,
        %broadcast_in_dim3A_297 = arith.constant 0.000000e+00 : f32
        %broadcast_in_dim3A_298 = vector.broadcast %broadcast_in_dim3A_297 : f32 to vector<16xf32>
        %add3A_299 = arith.constant 1 : i32
        %add3A_300 = vector.broadcast %add3A_299 : i32 to vector<16xi32>
        %add3A_301 = arith.addi %mul3A_288, %add3A_300 : vector<16xi32>
        %mul3A_302 = arith.mulf %mul3A_258, %mul3A_204 : vector<16xf32>
        %shift_right_logical3A_303 = arith.constant 7 : i32
        %shift_right_logical3A_304 = vector.broadcast %shift_right_logical3A_303 : i32 to vector<16xi32>
        %shift_right_logical3A_305 = arith.shrui %add3A_301, %shift_right_logical3A_304 : vector<16xi32>
        %and3A_306 = arith.constant 127 : i32
        %and3A_307 = vector.broadcast %and3A_306 : i32 to vector<16xi32>
        %and3A_308 = arith.andi %add3A_301, %and3A_307 : vector<16xi32>
        tpu.vector_store_idx %arg14[%shift_right_logical3A_305, %and3A_308], %mul3A_302 : memref<32x128xf32, #tpu.memory_space<vmem>>[vector<16xi32>, vector<16xi32>], vector<16xf32>,
        %mul3A_309 = arith.mulf %mul3A_283, %mul3A_258 : vector<16xf32>
        %sub3A_310 = arith.subf %mul3A_309, %broadcast_in_dim3A_298 : vector<16xf32>
        %add3A_311 = arith.constant 2 : i32
        %add3A_312 = vector.broadcast %add3A_311 : i32 to vector<16xi32>
        %add3A_313 = arith.addi %mul3A_288, %add3A_312 : vector<16xi32>
        %mul3A_314 = arith.mulf %sub3A_310, %mul3A_204 : vector<16xf32>
        %shift_right_logical3A_315 = arith.constant 7 : i32
        %shift_right_logical3A_316 = vector.broadcast %shift_right_logical3A_315 : i32 to vector<16xi32>
        %shift_right_logical3A_317 = arith.shrui %add3A_313, %shift_right_logical3A_316 : vector<16xi32>
        %and3A_318 = arith.constant 127 : i32
        %and3A_319 = vector.broadcast %and3A_318 : i32 to vector<16xi32>
        %and3A_320 = arith.andi %add3A_313, %and3A_319 : vector<16xi32>
        tpu.vector_store_idx %arg14[%shift_right_logical3A_317, %and3A_320], %mul3A_314 : memref<32x128xf32, #tpu.memory_space<vmem>>[vector<16xi32>, vector<16xi32>], vector<16xf32>,
        %mul3A_321 = arith.mulf %mul3A_283, %sub3A_310 : vector<16xf32>
        %sub3A_322 = arith.subf %mul3A_321, %mul3A_258 : vector<16xf32>
        %add3A_323 = arith.constant 3 : i32
        %add3A_324 = vector.broadcast %add3A_323 : i32 to vector<16xi32>
        %add3A_325 = arith.addi %mul3A_288, %add3A_324 : vector<16xi32>
        %mul3A_326 = arith.mulf %sub3A_322, %mul3A_204 : vector<16xf32>
        %shift_right_logical3A_327 = arith.constant 7 : i32
        %shift_right_logical3A_328 = vector.broadcast %shift_right_logical3A_327 : i32 to vector<16xi32>
        %shift_right_logical3A_329 = arith.shrui %add3A_325, %shift_right_logical3A_328 : vector<16xi32>
        %and3A_330 = arith.constant 127 : i32
        %and3A_331 = vector.broadcast %and3A_330 : i32 to vector<16xi32>
        %and3A_332 = arith.andi %add3A_325, %and3A_331 : vector<16xi32>
        tpu.vector_store_idx %arg14[%shift_right_logical3A_329, %and3A_332], %mul3A_326 : memref<32x128xf32, #tpu.memory_space<vmem>>[vector<16xi32>, vector<16xi32>], vector<16xf32>,
        %mul3A_333 = arith.mulf %mul3A_283, %sub3A_322 : vector<16xf32>
        %sub3A_334 = arith.subf %mul3A_333, %sub3A_310 : vector<16xf32>
        %add3A_335 = arith.constant 4 : i32
        %add3A_336 = vector.broadcast %add3A_335 : i32 to vector<16xi32>
        %add3A_337 = arith.addi %mul3A_288, %add3A_336 : vector<16xi32>
        %mul3A_338 = arith.mulf %sub3A_334, %mul3A_204 : vector<16xf32>
        %shift_right_logical3A_339 = arith.constant 7 : i32
        %shift_right_logical3A_340 = vector.broadcast %shift_right_logical3A_339 : i32 to vector<16xi32>
        %shift_right_logical3A_341 = arith.shrui %add3A_337, %shift_right_logical3A_340 : vector<16xi32>
        %and3A_342 = arith.constant 127 : i32
        %and3A_343 = vector.broadcast %and3A_342 : i32 to vector<16xi32>
        %and3A_344 = arith.andi %add3A_337, %and3A_343 : vector<16xi32>
        tpu.vector_store_idx %arg14[%shift_right_logical3A_341, %and3A_344], %mul3A_338 : memref<32x128xf32, #tpu.memory_space<vmem>>[vector<16xi32>, vector<16xi32>], vector<16xf32>,
        %mul3A_345 = arith.mulf %mul3A_283, %sub3A_334 : vector<16xf32>
        %sub3A_346 = arith.subf %mul3A_345, %sub3A_322 : vector<16xf32>
        %add3A_347 = arith.constant 5 : i32
        %add3A_348 = vector.broadcast %add3A_347 : i32 to vector<16xi32>
        %add3A_349 = arith.addi %mul3A_288, %add3A_348 : vector<16xi32>
        %mul3A_350 = arith.mulf %sub3A_346, %mul3A_204 : vector<16xf32>
        %shift_right_logical3A_351 = arith.constant 7 : i32
        %shift_right_logical3A_352 = vector.broadcast %shift_right_logical3A_351 : i32 to vector<16xi32>
        %shift_right_logical3A_353 = arith.shrui %add3A_349, %shift_right_logical3A_352 : vector<16xi32>
        %and3A_354 = arith.constant 127 : i32
        %and3A_355 = vector.broadcast %and3A_354 : i32 to vector<16xi32>
        %and3A_356 = arith.andi %add3A_349, %and3A_355 : vector<16xi32>
        tpu.vector_store_idx %arg14[%shift_right_logical3A_353, %and3A_356], %mul3A_350 : memref<32x128xf32, #tpu.memory_space<vmem>>[vector<16xi32>, vector<16xi32>], vector<16xf32>,
        %mul3A_357 = arith.mulf %mul3A_283, %sub3A_346 : vector<16xf32>
        %sub3A_358 = arith.subf %mul3A_357, %sub3A_334 : vector<16xf32>
        %add3A_359 = arith.constant 6 : i32
        %add3A_360 = vector.broadcast %add3A_359 : i32 to vector<16xi32>
        %add3A_361 = arith.addi %mul3A_288, %add3A_360 : vector<16xi32>
        %mul3A_362 = arith.mulf %sub3A_358, %mul3A_204 : vector<16xf32>
        %shift_right_logical3A_363 = arith.constant 7 : i32
        %shift_right_logical3A_364 = vector.broadcast %shift_right_logical3A_363 : i32 to vector<16xi32>
        %shift_right_logical3A_365 = arith.shrui %add3A_361, %shift_right_logical3A_364 : vector<16xi32>
        %and3A_366 = arith.constant 127 : i32
        %and3A_367 = vector.broadcast %and3A_366 : i32 to vector<16xi32>
        %and3A_368 = arith.andi %add3A_361, %and3A_367 : vector<16xi32>
        tpu.vector_store_idx %arg14[%shift_right_logical3A_365, %and3A_368], %mul3A_362 : memref<32x128xf32, #tpu.memory_space<vmem>>[vector<16xi32>, vector<16xi32>], vector<16xf32>,
        %mul3A_369 = arith.mulf %mul3A_283, %sub3A_358 : vector<16xf32>
        %sub3A_370 = arith.subf %mul3A_369, %sub3A_346 : vector<16xf32>
        %add3A_371 = arith.constant 7 : i32
        %add3A_372 = vector.broadcast %add3A_371 : i32 to vector<16xi32>
        %add3A_373 = arith.addi %mul3A_288, %add3A_372 : vector<16xi32>
        %mul3A_374 = arith.mulf %sub3A_370, %mul3A_204 : vector<16xf32>
        %shift_right_logical3A_375 = arith.constant 7 : i32
        %shift_right_logical3A_376 = vector.broadcast %shift_right_logical3A_375 : i32 to vector<16xi32>
        %shift_right_logical3A_377 = arith.shrui %add3A_373, %shift_right_logical3A_376 : vector<16xi32>
        %and3A_378 = arith.constant 127 : i32
        %and3A_379 = vector.broadcast %and3A_378 : i32 to vector<16xi32>
        %and3A_380 = arith.andi %add3A_373, %and3A_379 : vector<16xi32>
        tpu.vector_store_idx %arg14[%shift_right_logical3A_377, %and3A_380], %mul3A_374 : memref<32x128xf32, #tpu.memory_space<vmem>>[vector<16xi32>, vector<16xi32>], vector<16xf32>,
        %mul3A_381 = arith.mulf %mul3A_283, %sub3A_370 : vector<16xf32>
        %sub3A_382 = arith.subf %mul3A_381, %sub3A_358 : vector<16xf32>
        %add3A_383 = arith.constant 8 : i32
        %add3A_384 = vector.broadcast %add3A_383 : i32 to vector<16xi32>
        %add3A_385 = arith.addi %mul3A_288, %add3A_384 : vector<16xi32>
        %mul3A_386 = arith.mulf %sub3A_382, %mul3A_204 : vector<16xf32>
        %shift_right_logical3A_387 = arith.constant 7 : i32
        %shift_right_logical3A_388 = vector.broadcast %shift_right_logical3A_387 : i32 to vector<16xi32>
        %shift_right_logical3A_389 = arith.shrui %add3A_385, %shift_right_logical3A_388 : vector<16xi32>
        %and3A_390 = arith.constant 127 : i32
        %and3A_391 = vector.broadcast %and3A_390 : i32 to vector<16xi32>
        %and3A_392 = arith.andi %add3A_385, %and3A_391 : vector<16xi32>
        tpu.vector_store_idx %arg14[%shift_right_logical3A_389, %and3A_392], %mul3A_386 : memref<32x128xf32, #tpu.memory_space<vmem>>[vector<16xi32>, vector<16xi32>], vector<16xf32>,
        %mul3A_393 = arith.mulf %mul3A_283, %sub3A_382 : vector<16xf32>
        %sub3A_394 = arith.subf %mul3A_393, %sub3A_370 : vector<16xf32>
        %add3A_395 = arith.constant 9 : i32
        %add3A_396 = vector.broadcast %add3A_395 : i32 to vector<16xi32>
        %add3A_397 = arith.addi %mul3A_288, %add3A_396 : vector<16xi32>
        %mul3A_398 = arith.mulf %sub3A_394, %mul3A_204 : vector<16xf32>
        %shift_right_logical3A_399 = arith.constant 7 : i32
        %shift_right_logical3A_400 = vector.broadcast %shift_right_logical3A_399 : i32 to vector<16xi32>
        %shift_right_logical3A_401 = arith.shrui %add3A_397, %shift_right_logical3A_400 : vector<16xi32>
        %and3A_402 = arith.constant 127 : i32
        %and3A_403 = vector.broadcast %and3A_402 : i32 to vector<16xi32>
        %and3A_404 = arith.andi %add3A_397, %and3A_403 : vector<16xi32>
        tpu.vector_store_idx %arg14[%shift_right_logical3A_401, %and3A_404], %mul3A_398 : memref<32x128xf32, #tpu.memory_space<vmem>>[vector<16xi32>, vector<16xi32>], vector<16xf32>,
        %mul3A_405 = arith.mulf %mul3A_283, %sub3A_394 : vector<16xf32>
        %sub3A_406 = arith.subf %mul3A_405, %sub3A_382 : vector<16xf32>
        %add3A_407 = arith.constant 10 : i32
        %add3A_408 = vector.broadcast %add3A_407 : i32 to vector<16xi32>
        %add3A_409 = arith.addi %mul3A_288, %add3A_408 : vector<16xi32>
        %mul3A_410 = arith.mulf %sub3A_406, %mul3A_204 : vector<16xf32>
        %shift_right_logical3A_411 = arith.constant 7 : i32
        %shift_right_logical3A_412 = vector.broadcast %shift_right_logical3A_411 : i32 to vector<16xi32>
        %shift_right_logical3A_413 = arith.shrui %add3A_409, %shift_right_logical3A_412 : vector<16xi32>
        %and3A_414 = arith.constant 127 : i32
        %and3A_415 = vector.broadcast %and3A_414 : i32 to vector<16xi32>
        %and3A_416 = arith.andi %add3A_409, %and3A_415 : vector<16xi32>
        tpu.vector_store_idx %arg14[%shift_right_logical3A_413, %and3A_416], %mul3A_410 : memref<32x128xf32, #tpu.memory_space<vmem>>[vector<16xi32>, vector<16xi32>], vector<16xf32>,
        %mul3A_417 = arith.mulf %mul3A_283, %sub3A_406 : vector<16xf32>
        %sub3A_418 = arith.subf %mul3A_417, %sub3A_394 : vector<16xf32>
        %add3A_419 = arith.constant 11 : i32
        %add3A_420 = vector.broadcast %add3A_419 : i32 to vector<16xi32>
        %add3A_421 = arith.addi %mul3A_288, %add3A_420 : vector<16xi32>
        %mul3A_422 = arith.mulf %sub3A_418, %mul3A_204 : vector<16xf32>
        %shift_right_logical3A_423 = arith.constant 7 : i32
        %shift_right_logical3A_424 = vector.broadcast %shift_right_logical3A_423 : i32 to vector<16xi32>
        %shift_right_logical3A_425 = arith.shrui %add3A_421, %shift_right_logical3A_424 : vector<16xi32>
        %and3A_426 = arith.constant 127 : i32
        %and3A_427 = vector.broadcast %and3A_426 : i32 to vector<16xi32>
        %and3A_428 = arith.andi %add3A_421, %and3A_427 : vector<16xi32>
        tpu.vector_store_idx %arg14[%shift_right_logical3A_425, %and3A_428], %mul3A_422 : memref<32x128xf32, #tpu.memory_space<vmem>>[vector<16xi32>, vector<16xi32>], vector<16xf32>,
        %mul3A_429 = arith.mulf %mul3A_283, %sub3A_418 : vector<16xf32>
        %sub3A_430 = arith.subf %mul3A_429, %sub3A_406 : vector<16xf32>
        %add3A_431 = arith.constant 12 : i32
        %add3A_432 = vector.broadcast %add3A_431 : i32 to vector<16xi32>
        %add3A_433 = arith.addi %mul3A_288, %add3A_432 : vector<16xi32>
        %mul3A_434 = arith.mulf %sub3A_430, %mul3A_204 : vector<16xf32>
        %shift_right_logical3A_435 = arith.constant 7 : i32
        %shift_right_logical3A_436 = vector.broadcast %shift_right_logical3A_435 : i32 to vector<16xi32>
        %shift_right_logical3A_437 = arith.shrui %add3A_433, %shift_right_logical3A_436 : vector<16xi32>
        %and3A_438 = arith.constant 127 : i32
        %and3A_439 = vector.broadcast %and3A_438 : i32 to vector<16xi32>
        %and3A_440 = arith.andi %add3A_433, %and3A_439 : vector<16xi32>
        tpu.vector_store_idx %arg14[%shift_right_logical3A_437, %and3A_440], %mul3A_434 : memref<32x128xf32, #tpu.memory_space<vmem>>[vector<16xi32>, vector<16xi32>], vector<16xf32>,
        %mul3A_441 = arith.mulf %mul3A_283, %sub3A_430 : vector<16xf32>
        %sub3A_442 = arith.subf %mul3A_441, %sub3A_418 : vector<16xf32>
        %add3A_443 = arith.constant 13 : i32
        %add3A_444 = vector.broadcast %add3A_443 : i32 to vector<16xi32>
        %add3A_445 = arith.addi %mul3A_288, %add3A_444 : vector<16xi32>
        %mul3A_446 = arith.mulf %sub3A_442, %mul3A_204 : vector<16xf32>
        %shift_right_logical3A_447 = arith.constant 7 : i32
        %shift_right_logical3A_448 = vector.broadcast %shift_right_logical3A_447 : i32 to vector<16xi32>
        %shift_right_logical3A_449 = arith.shrui %add3A_445, %shift_right_logical3A_448 : vector<16xi32>
        %and3A_450 = arith.constant 127 : i32
        %and3A_451 = vector.broadcast %and3A_450 : i32 to vector<16xi32>
        %and3A_452 = arith.andi %add3A_445, %and3A_451 : vector<16xi32>
        tpu.vector_store_idx %arg14[%shift_right_logical3A_449, %and3A_452], %mul3A_446 : memref<32x128xf32, #tpu.memory_space<vmem>>[vector<16xi32>, vector<16xi32>], vector<16xf32>,
        %mul3A_453 = arith.mulf %mul3A_283, %sub3A_442 : vector<16xf32>
        %sub3A_454 = arith.subf %mul3A_453, %sub3A_430 : vector<16xf32>
        %add3A_455 = arith.constant 14 : i32
        %add3A_456 = vector.broadcast %add3A_455 : i32 to vector<16xi32>
        %add3A_457 = arith.addi %mul3A_288, %add3A_456 : vector<16xi32>
        %mul3A_458 = arith.mulf %sub3A_454, %mul3A_204 : vector<16xf32>
        %shift_right_logical3A_459 = arith.constant 7 : i32
        %shift_right_logical3A_460 = vector.broadcast %shift_right_logical3A_459 : i32 to vector<16xi32>
        %shift_right_logical3A_461 = arith.shrui %add3A_457, %shift_right_logical3A_460 : vector<16xi32>
        %and3A_462 = arith.constant 127 : i32
        %and3A_463 = vector.broadcast %and3A_462 : i32 to vector<16xi32>
        %and3A_464 = arith.andi %add3A_457, %and3A_463 : vector<16xi32>
        tpu.vector_store_idx %arg14[%shift_right_logical3A_461, %and3A_464], %mul3A_458 : memref<32x128xf32, #tpu.memory_space<vmem>>[vector<16xi32>, vector<16xi32>], vector<16xf32>,
        %mul3A_465 = arith.mulf %mul3A_283, %sub3A_454 : vector<16xf32>
        %sub3A_466 = arith.subf %mul3A_465, %sub3A_442 : vector<16xf32>
        %add3A_467 = arith.constant 15 : i32
        %add3A_468 = vector.broadcast %add3A_467 : i32 to vector<16xi32>
        %add3A_469 = arith.addi %mul3A_288, %add3A_468 : vector<16xi32>
        %mul3A_470 = arith.mulf %sub3A_466, %mul3A_204 : vector<16xf32>
        %shift_right_logical3A_471 = arith.constant 7 : i32
        %shift_right_logical3A_472 = vector.broadcast %shift_right_logical3A_471 : i32 to vector<16xi32>
        %shift_right_logical3A_473 = arith.shrui %add3A_469, %shift_right_logical3A_472 : vector<16xi32>
        %and3A_474 = arith.constant 127 : i32
        %and3A_475 = vector.broadcast %and3A_474 : i32 to vector<16xi32>
        %and3A_476 = arith.andi %add3A_469, %and3A_475 : vector<16xi32>
        tpu.vector_store_idx %arg14[%shift_right_logical3A_473, %and3A_476], %mul3A_470 : memref<32x128xf32, #tpu.memory_space<vmem>>[vector<16xi32>, vector<16xi32>], vector<16xf32>,
      }
      %scan3A_56 = arith.constant 16 : i32
      %mul3A_57 = arith.constant 640 : i32
      %mul3A_58 = arith.muli %add3A, %mul3A_57 : i32
      %mul3A_59 = arith.constant 32 : i32
      %mul3A_60 = arith.muli %scan3A_48, %mul3A_59 : i32
      %add3A_61 = arith.addi %mul3A_58, %mul3A_60 : i32
      "tpu.region"() ({
        %run_scoped3A = tpu.sem_alloc : memref<!tpu.dma_semaphore, #tpu.memory_space<semaphore_mem>>
        %dma_start3A_67 = arith.constant 0 : i32
        %dma_start3A_68 = tpu.memref_slice %arg7[%add3A_61, %dma_start3A_67] : memref<20480x128xf32, #tpu.memory_space<hbm>> -> memref<32x128xf32, #tpu.memory_space<hbm>>
        %dma_start3A_69 = arith.constant 0 : i32
        %dma_start3A_70 = tpu.memref_slice %arg7[%add3A_61, %dma_start3A_69] : memref<20480x128xf32, #tpu.memory_space<hbm>> -> memref<32x128xf32, #tpu.memory_space<hbm>>
        tpu.enqueue_dma source(%arg14 : memref<32x128xf32, #tpu.memory_space<vmem>>) target(%dma_start3A_70 : memref<32x128xf32, #tpu.memory_space<hbm>>) target_semaphore(%run_scoped3A : memref<!tpu.dma_semaphore, #tpu.memory_space<semaphore_mem>>)
        %dma_wait3A_71 = arith.constant 0 : i32
        %dma_wait3A_72 = tpu.memref_slice %arg7[%add3A_61, %dma_wait3A_71] : memref<20480x128xf32, #tpu.memory_space<hbm>> -> memref<32x128xf32, #tpu.memory_space<hbm>>
        %dma_wait3A_73 = arith.constant 0 : i32
        %dma_wait3A_74 = tpu.memref_slice %arg7[%add3A_61, %dma_wait3A_73] : memref<20480x128xf32, #tpu.memory_space<hbm>> -> memref<32x128xf32, #tpu.memory_space<hbm>>
        tpu.wait_dma2 semaphore(%run_scoped3A : memref<!tpu.dma_semaphore, #tpu.memory_space<semaphore_mem>>) src(%arg14 : memref<32x128xf32, #tpu.memory_space<vmem>>) dst(%dma_wait3A_74 : memref<32x128xf32, #tpu.memory_space<hbm>>)
        tpu.yield
      }) : () -> ()
      %mul3A_62 = arith.constant 160 : i32
      %mul3A_63 = arith.muli %add3A, %mul3A_62 : i32
      %mul3A_64 = arith.constant 8 : i32
      %mul3A_65 = arith.muli %scan3A_48, %mul3A_64 : i32
      %add3A_66 = arith.addi %mul3A_63, %mul3A_65 : i32
      "tpu.region"() ({
        %run_scoped3A = tpu.sem_alloc : memref<!tpu.dma_semaphore, #tpu.memory_space<semaphore_mem>>
        %dma_start3A_67 = arith.constant 0 : i32
        %dma_start3A_68 = tpu.memref_slice %arg8[%add3A_66, %dma_start3A_67] : memref<5120x128xf32, #tpu.memory_space<hbm>> -> memref<8x128xf32, #tpu.memory_space<hbm>>
        %dma_start3A_69 = arith.constant 0 : i32
        %dma_start3A_70 = tpu.memref_slice %arg8[%add3A_66, %dma_start3A_69] : memref<5120x128xf32, #tpu.memory_space<hbm>> -> memref<8x128xf32, #tpu.memory_space<hbm>>
        tpu.enqueue_dma source(%arg15 : memref<8x128xf32, #tpu.memory_space<vmem>>) target(%dma_start3A_70 : memref<8x128xf32, #tpu.memory_space<hbm>>) target_semaphore(%run_scoped3A : memref<!tpu.dma_semaphore, #tpu.memory_space<semaphore_mem>>)
        %dma_wait3A_71 = arith.constant 0 : i32
        %dma_wait3A_72 = tpu.memref_slice %arg8[%add3A_66, %dma_wait3A_71] : memref<5120x128xf32, #tpu.memory_space<hbm>> -> memref<8x128xf32, #tpu.memory_space<hbm>>
        %dma_wait3A_73 = arith.constant 0 : i32
        %dma_wait3A_74 = tpu.memref_slice %arg8[%add3A_66, %dma_wait3A_73] : memref<5120x128xf32, #tpu.memory_space<hbm>> -> memref<8x128xf32, #tpu.memory_space<hbm>>
        tpu.wait_dma2 semaphore(%run_scoped3A : memref<!tpu.dma_semaphore, #tpu.memory_space<semaphore_mem>>) src(%arg15 : memref<8x128xf32, #tpu.memory_space<vmem>>) dst(%dma_wait3A_74 : memref<8x128xf32, #tpu.memory_space<hbm>>)
        tpu.yield
      }) : () -> ()
    }
    %scan3A_33 = arith.constant 20 : i32
    %dma_start3A = arith.constant 0 : i32
    %dma_start3A_34 = tpu.memref_slice %arg10[%dma_start3A] : memref<5120xi32, #tpu.memory_space<vmem>> -> memref<40xi32, #tpu.memory_space<vmem>>
    %dma_start3A_35 = arith.constant 0 : i32
    %dma_start3A_36 = arith.constant 0 : i32
    %dma_start3A_37 = tpu.memref_slice %arg2[%dma_start3A_35, %dma_start3A_36] : memref<10000x128xf32, #tpu.memory_space<hbm>> -> memref<10000x128xf32, #tpu.memory_space<hbm>>
    tpu.enqueue_indirect_dma source(%dma_start3A_37 : memref<10000x128xf32, #tpu.memory_space<hbm>>) target(%arg12 : memref<40x128xf32, #tpu.memory_space<vmem>>) offsets(%dma_start3A_34 : memref<40xi32, #tpu.memory_space<vmem>>) semaphore(%arg16 : memref<!tpu.dma_semaphore, #tpu.memory_space<semaphore_mem>>)
    %scan3A_38 = arith.constant 0 : i32
    %scan3A_39 = arith.constant 0 : i32
    %scan3A_40 = arith.constant 64 : i32
    %scan3A_41 = arith.addi %scan3A_39, %scan3A_40 : i32
    %scan3A_42 = arith.constant 1 : i32
    scf.for %scan3A_48 = %scan3A_39 to %scan3A_41 step %scan3A_42  : i32 {
      %mul3A_49 = arith.constant 2 : i32
      %mul3A_50 = arith.muli %mul3A_49, %scan3A_48 : i32
      %add3A_51 = arith.constant 1 : i32
      %add3A_52 = arith.addi %mul3A_50, %add3A_51 : i32
      %mul3A_53 = arith.constant 40 : i32
      %mul3A_54 = arith.muli %add3A_52, %mul3A_53 : i32
      %dma_start3A_55 = tpu.memref_slice %arg10[%mul3A_54] : memref<5120xi32, #tpu.memory_space<vmem>> -> memref<40xi32, #tpu.memory_space<vmem>>
      %dma_start3A_56 = arith.constant 0 : i32
      %dma_start3A_57 = arith.constant 0 : i32
      %dma_start3A_58 = tpu.memref_slice %arg2[%dma_start3A_56, %dma_start3A_57] : memref<10000x128xf32, #tpu.memory_space<hbm>> -> memref<10000x128xf32, #tpu.memory_space<hbm>>
      tpu.enqueue_indirect_dma source(%dma_start3A_58 : memref<10000x128xf32, #tpu.memory_space<hbm>>) target(%arg13 : memref<40x128xf32, #tpu.memory_space<vmem>>) offsets(%dma_start3A_55 : memref<40xi32, #tpu.memory_space<vmem>>) semaphore(%arg17 : memref<!tpu.dma_semaphore, #tpu.memory_space<semaphore_mem>>)
      %mul3A_59 = arith.constant 40 : i32
      %mul3A_60 = arith.muli %mul3A_50, %mul3A_59 : i32
      %dma_wait3A_61 = tpu.memref_slice %arg10[%mul3A_60] : memref<5120xi32, #tpu.memory_space<vmem>> -> memref<40xi32, #tpu.memory_space<vmem>>
      %dma_wait3A_62 = arith.constant 0 : i32
      %dma_wait3A_63 = arith.constant 0 : i32
      %dma_wait3A_64 = tpu.memref_slice %arg2[%dma_wait3A_62, %dma_wait3A_63] : memref<10000x128xf32, #tpu.memory_space<hbm>> -> memref<10000x128xf32, #tpu.memory_space<hbm>>
      tpu.wait_indirect_dma semaphore(%arg16 : memref<!tpu.dma_semaphore, #tpu.memory_space<semaphore_mem>>) src(%dma_wait3A_64 : memref<10000x128xf32, #tpu.memory_space<hbm>>) dst(%arg12 : memref<40x128xf32, #tpu.memory_space<vmem>>)
      %mul3A_65 = arith.constant 40 : i32
      %mul3A_66 = arith.muli %mul3A_50, %mul3A_65 : i32
      %add3A_67 = arith.addi %mul3A_2, %mul3A_66 : i32
      "tpu.region"() ({
        %run_scoped3A = tpu.sem_alloc : memref<!tpu.dma_semaphore, #tpu.memory_space<semaphore_mem>>
        %dma_start3A_90 = arith.constant 0 : i32
        %dma_start3A_91 = tpu.memref_slice %arg6[%add3A_67, %dma_start3A_90] : memref<163840x128xf32, #tpu.memory_space<hbm>> -> memref<40x128xf32, #tpu.memory_space<hbm>>
        %dma_start3A_92 = arith.constant 0 : i32
        %dma_start3A_93 = tpu.memref_slice %arg6[%add3A_67, %dma_start3A_92] : memref<163840x128xf32, #tpu.memory_space<hbm>> -> memref<40x128xf32, #tpu.memory_space<hbm>>
        tpu.enqueue_dma source(%arg12 : memref<40x128xf32, #tpu.memory_space<vmem>>) target(%dma_start3A_93 : memref<40x128xf32, #tpu.memory_space<hbm>>) target_semaphore(%run_scoped3A : memref<!tpu.dma_semaphore, #tpu.memory_space<semaphore_mem>>)
        %dma_wait3A_94 = arith.constant 0 : i32
        %dma_wait3A_95 = tpu.memref_slice %arg6[%add3A_67, %dma_wait3A_94] : memref<163840x128xf32, #tpu.memory_space<hbm>> -> memref<40x128xf32, #tpu.memory_space<hbm>>
        %dma_wait3A_96 = arith.constant 0 : i32
        %dma_wait3A_97 = tpu.memref_slice %arg6[%add3A_67, %dma_wait3A_96] : memref<163840x128xf32, #tpu.memory_space<hbm>> -> memref<40x128xf32, #tpu.memory_space<hbm>>
        tpu.wait_dma2 semaphore(%run_scoped3A : memref<!tpu.dma_semaphore, #tpu.memory_space<semaphore_mem>>) src(%arg12 : memref<40x128xf32, #tpu.memory_space<vmem>>) dst(%dma_wait3A_97 : memref<40x128xf32, #tpu.memory_space<hbm>>)
        tpu.yield
      }) : () -> ()
      %add3A_68 = arith.constant 2 : i32
      %add3A_69 = arith.addi %mul3A_50, %add3A_68 : i32
      %min3A = arith.constant 127 : i32
      %min3A_70 = arith.minsi %add3A_69, %min3A : i32
      %mul3A_71 = arith.constant 40 : i32
      %mul3A_72 = arith.muli %min3A_70, %mul3A_71 : i32
      %dma_start3A_73 = tpu.memref_slice %arg10[%mul3A_72] : memref<5120xi32, #tpu.memory_space<vmem>> -> memref<40xi32, #tpu.memory_space<vmem>>
      %dma_start3A_74 = arith.constant 0 : i32
      %dma_start3A_75 = arith.constant 0 : i32
      %dma_start3A_76 = tpu.memref_slice %arg2[%dma_start3A_74, %dma_start3A_75] : memref<10000x128xf32, #tpu.memory_space<hbm>> -> memref<10000x128xf32, #tpu.memory_space<hbm>>
      tpu.enqueue_indirect_dma source(%dma_start3A_76 : memref<10000x128xf32, #tpu.memory_space<hbm>>) target(%arg12 : memref<40x128xf32, #tpu.memory_space<vmem>>) offsets(%dma_start3A_73 : memref<40xi32, #tpu.memory_space<vmem>>) semaphore(%arg16 : memref<!tpu.dma_semaphore, #tpu.memory_space<semaphore_mem>>)
      %add3A_77 = arith.constant 1 : i32
      %add3A_78 = arith.addi %mul3A_50, %add3A_77 : i32
      %mul3A_79 = arith.constant 40 : i32
      %mul3A_80 = arith.muli %add3A_78, %mul3A_79 : i32
      %dma_wait3A_81 = tpu.memref_slice %arg10[%mul3A_80] : memref<5120xi32, #tpu.memory_space<vmem>> -> memref<40xi32, #tpu.memory_space<vmem>>
      %dma_wait3A_82 = arith.constant 0 : i32
      %dma_wait3A_83 = arith.constant 0 : i32
      %dma_wait3A_84 = tpu.memref_slice %arg2[%dma_wait3A_82, %dma_wait3A_83] : memref<10000x128xf32, #tpu.memory_space<hbm>> -> memref<10000x128xf32, #tpu.memory_space<hbm>>
      tpu.wait_indirect_dma semaphore(%arg17 : memref<!tpu.dma_semaphore, #tpu.memory_space<semaphore_mem>>) src(%dma_wait3A_84 : memref<10000x128xf32, #tpu.memory_space<hbm>>) dst(%arg13 : memref<40x128xf32, #tpu.memory_space<vmem>>)
      %add3A_85 = arith.constant 1 : i32
      %add3A_86 = arith.addi %mul3A_50, %add3A_85 : i32
      %mul3A_87 = arith.constant 40 : i32
      %mul3A_88 = arith.muli %add3A_86, %mul3A_87 : i32
      %add3A_89 = arith.addi %mul3A_2, %mul3A_88 : i32
      "tpu.region"() ({
        %run_scoped3A = tpu.sem_alloc : memref<!tpu.dma_semaphore, #tpu.memory_space<semaphore_mem>>
        %dma_start3A_90 = arith.constant 0 : i32
        %dma_start3A_91 = tpu.memref_slice %arg6[%add3A_89, %dma_start3A_90] : memref<163840x128xf32, #tpu.memory_space<hbm>> -> memref<40x128xf32, #tpu.memory_space<hbm>>
        %dma_start3A_92 = arith.constant 0 : i32
        %dma_start3A_93 = tpu.memref_slice %arg6[%add3A_89, %dma_start3A_92] : memref<163840x128xf32, #tpu.memory_space<hbm>> -> memref<40x128xf32, #tpu.memory_space<hbm>>
        tpu.enqueue_dma source(%arg13 : memref<40x128xf32, #tpu.memory_space<vmem>>) target(%dma_start3A_93 : memref<40x128xf32, #tpu.memory_space<hbm>>) target_semaphore(%run_scoped3A : memref<!tpu.dma_semaphore, #tpu.memory_space<semaphore_mem>>)
        %dma_wait3A_94 = arith.constant 0 : i32
        %dma_wait3A_95 = tpu.memref_slice %arg6[%add3A_89, %dma_wait3A_94] : memref<163840x128xf32, #tpu.memory_space<hbm>> -> memref<40x128xf32, #tpu.memory_space<hbm>>
        %dma_wait3A_96 = arith.constant 0 : i32
        %dma_wait3A_97 = tpu.memref_slice %arg6[%add3A_89, %dma_wait3A_96] : memref<163840x128xf32, #tpu.memory_space<hbm>> -> memref<40x128xf32, #tpu.memory_space<hbm>>
        tpu.wait_dma2 semaphore(%run_scoped3A : memref<!tpu.dma_semaphore, #tpu.memory_space<semaphore_mem>>) src(%arg13 : memref<40x128xf32, #tpu.memory_space<vmem>>) dst(%dma_wait3A_97 : memref<40x128xf32, #tpu.memory_space<hbm>>)
        tpu.yield
      }) : () -> ()
    }
    %scan3A_43 = arith.constant 64 : i32
    %dma_wait3A = arith.constant 0 : i32
    %dma_wait3A_44 = tpu.memref_slice %arg10[%dma_wait3A] : memref<5120xi32, #tpu.memory_space<vmem>> -> memref<40xi32, #tpu.memory_space<vmem>>
    %dma_wait3A_45 = arith.constant 0 : i32
    %dma_wait3A_46 = arith.constant 0 : i32
    %dma_wait3A_47 = tpu.memref_slice %arg2[%dma_wait3A_45, %dma_wait3A_46] : memref<10000x128xf32, #tpu.memory_space<hbm>> -> memref<10000x128xf32, #tpu.memory_space<hbm>>
    tpu.wait_indirect_dma semaphore(%arg16 : memref<!tpu.dma_semaphore, #tpu.memory_space<semaphore_mem>>) src(%dma_wait3A_47 : memref<10000x128xf32, #tpu.memory_space<hbm>>) dst(%arg12 : memref<40x128xf32, #tpu.memory_space<vmem>>)
    return
  }
}

module attributes {stable_mosaic.version = 14 : i64} {
  func.func @_pre_body(%arg0: i32, %arg1: memref<200x256xf32, #tpu.memory_space<vmem>>, %arg2: memref<64x64xf32, #tpu.memory_space<vmem>>, %arg3: memref<64x64xf32, #tpu.memory_space<vmem>>, %arg4: memref<200x128xf32, #tpu.memory_space<vmem>>) attributes {dimension_semantics = [#tpu.dimension_semantics<arbitrary>], iteration_bounds = array<i64: 50>, scalar_prefetch = 0 : i64, scratch_operands = 0 : i64, tpu.core_type = #tpu.core_type<tc>, window_params = [{transform_indices = @transform_0, window_bounds = array<i64: 200, 256>}, {pipeline_mode = #tpu.pipeline_mode<synchronous>, transform_indices = @transform_1, window_bounds = array<i64: 64, 64>}, {pipeline_mode = #tpu.pipeline_mode<synchronous>, transform_indices = @transform_2, window_bounds = array<i64: 64, 64>}, {transform_indices = @transform_3, window_bounds = array<i64: 200, 128>}]} {
    %get3A = arith.constant 0 : index
    %get3A_0 = arith.constant 0 : index
    %get3A_1 = vector.load %arg1[%get3A, %get3A_0] : memref<200x256xf32, #tpu.memory_space<vmem>>, vector<200x256xf32>
    %get3A_2 = arith.constant 0 : index
    %get3A_3 = arith.constant 0 : index
    %get3A_4 = vector.load %arg2[%get3A_2, %get3A_3] : memref<64x64xf32, #tpu.memory_space<vmem>>, vector<64x64xf32>
    %get3A_5 = arith.constant 0 : index
    %get3A_6 = arith.constant 0 : index
    %get3A_7 = vector.load %arg3[%get3A_5, %get3A_6] : memref<64x64xf32, #tpu.memory_space<vmem>>, vector<64x64xf32>
    %slice3A = vector.extract_strided_slice %get3A_1 {offsets = [0, 0], sizes = [200, 64], strides = [1, 1]} : vector<200x256xf32> to vector<200x64xf32>
    %dot_general3A = arith.constant dense<0.000000e+00> : vector<200x64xf32>
    %dot_general3A_8 = tpu.matmul %slice3A, %get3A_4, %dot_general3A {dimension_numbers = #tpu.dot_dimension_numbers<[1], [0], [0], [1], [0, 0, 1, 1], [], []>, transpose_lhs_hint = false} : vector<200x64xf32>, vector<64x64xf32>, vector<200x64xf32> -> vector<200x64xf32>
    %slice3A_9 = vector.extract_strided_slice %get3A_1 {offsets = [0, 64], sizes = [200, 64], strides = [1, 1]} : vector<200x256xf32> to vector<200x64xf32>
    %dot_general3A_10 = arith.constant dense<0.000000e+00> : vector<200x64xf32>
    %dot_general3A_11 = tpu.matmul %slice3A_9, %get3A_7, %dot_general3A_10 {dimension_numbers = #tpu.dot_dimension_numbers<[1], [0], [0], [1], [0, 0, 1, 1], [], []>, transpose_lhs_hint = false} : vector<200x64xf32>, vector<64x64xf32>, vector<200x64xf32> -> vector<200x64xf32>
    %slice3A_12 = vector.extract_strided_slice %get3A_1 {offsets = [0, 128], sizes = [200, 64], strides = [1, 1]} : vector<200x256xf32> to vector<200x64xf32>
    %dot_general3A_13 = arith.constant dense<0.000000e+00> : vector<200x64xf32>
    %dot_general3A_14 = tpu.matmul %slice3A_12, %get3A_7, %dot_general3A_13 {dimension_numbers = #tpu.dot_dimension_numbers<[1], [0], [0], [1], [0, 0, 1, 1], [], []>, transpose_lhs_hint = false} : vector<200x64xf32>, vector<64x64xf32>, vector<200x64xf32> -> vector<200x64xf32>
    %slice3A_15 = vector.extract_strided_slice %get3A_1 {offsets = [0, 192], sizes = [200, 64], strides = [1, 1]} : vector<200x256xf32> to vector<200x64xf32>
    %dot_general3A_16 = arith.constant dense<0.000000e+00> : vector<200x64xf32>
    %dot_general3A_17 = tpu.matmul %slice3A_15, %get3A_7, %dot_general3A_16 {dimension_numbers = #tpu.dot_dimension_numbers<[1], [0], [0], [1], [0, 0, 1, 1], [], []>, transpose_lhs_hint = false} : vector<200x64xf32>, vector<64x64xf32>, vector<200x64xf32> -> vector<200x64xf32>
    %concatenate3A = tpu.concatenate %dot_general3A_8, %dot_general3A_11, %dot_general3A_14, %dot_general3A_17 in 1 : vector<200x64xf32>, vector<200x64xf32>, vector<200x64xf32>, vector<200x64xf32> -> vector<200x256xf32>
    %slice3A_18 = vector.extract_strided_slice %concatenate3A {offsets = [0, 0], sizes = [200, 128], strides = [1, 1]} : vector<200x256xf32> to vector<200x128xf32>
    %convert_element_type3A = arith.truncf %slice3A_18 : vector<200x128xf32> to vector<200x128xbf16>
    %convert_element_type3A_19 = arith.extf %convert_element_type3A : vector<200x128xbf16> to vector<200x128xf32>
    %bitcast_convert_type3A = tpu.bitcast %convert_element_type3A_19 : vector<200x128xf32> -> vector<200x128xi32>
    %slice3A_20 = vector.extract_strided_slice %concatenate3A {offsets = [0, 128], sizes = [200, 128], strides = [1, 1]} : vector<200x256xf32> to vector<200x128xf32>
    %convert_element_type3A_21 = arith.truncf %slice3A_20 : vector<200x128xf32> to vector<200x128xbf16>
    %convert_element_type3A_22 = arith.extf %convert_element_type3A_21 : vector<200x128xbf16> to vector<200x128xf32>
    %bitcast_convert_type3A_23 = tpu.bitcast %convert_element_type3A_22 : vector<200x128xf32> -> vector<200x128xi32>
    %shift_right_logical3A = arith.constant 16 : i32
    %shift_right_logical3A_24 = vector.broadcast %shift_right_logical3A : i32 to vector<200x128xi32>
    %shift_right_logical3A_25 = arith.shrui %bitcast_convert_type3A, %shift_right_logical3A_24 : vector<200x128xi32>
    %or3A = arith.ori %shift_right_logical3A_25, %bitcast_convert_type3A_23 : vector<200x128xi32>
    %bitcast_convert_type3A_26 = tpu.bitcast %or3A : vector<200x128xi32> -> vector<200x128xf32>
    %swap3A = arith.constant 0 : index
    %swap3A_27 = arith.constant 0 : index
    %swap3A_28 = vector.load %arg4[%swap3A, %swap3A_27] : memref<200x128xf32, #tpu.memory_space<vmem>>, vector<200x128xf32>
    tpu.vector_store %arg4[%swap3A, %swap3A_27], %bitcast_convert_type3A_26 {strides = array<i32>} : memref<200x128xf32, #tpu.memory_space<vmem>>, vector<200x128xf32>,
    return
  }
  func.func @transform_0(%arg0: i32) -> (i32, i32) {
    %c0_i32 = arith.constant 0 : i32
    %c0_i32_0 = arith.constant 0 : i32
    return %arg0, %c0_i32 : i32, i32
  }
  func.func @transform_1(%arg0: i32) -> (i32, i32) {
    %c0_i32 = arith.constant 0 : i32
    %c0_i32_0 = arith.constant 0 : i32
    %c0_i32_1 = arith.constant 0 : i32
    return %c0_i32, %c0_i32_0 : i32, i32
  }
  func.func @transform_2(%arg0: i32) -> (i32, i32) {
    %c0_i32 = arith.constant 0 : i32
    %c0_i32_0 = arith.constant 0 : i32
    %c0_i32_1 = arith.constant 0 : i32
    return %c0_i32, %c0_i32_0 : i32, i32
  }
  func.func @transform_3(%arg0: i32) -> (i32, i32) {
    %c0_i32 = arith.constant 0 : i32
    %c0_i32_0 = arith.constant 0 : i32
    return %arg0, %c0_i32 : i32, i32
  }
}

module attributes {stable_mosaic.version = 14 : i64} {
  func.func @_edge_body(%arg0: i32, %arg1: memref<16x256x128xf32, #tpu.memory_space<vmem>>, %arg2: memref<16x256x16xf32, #tpu.memory_space<vmem>>, %arg3: memref<16x256x4xf32, #tpu.memory_space<vmem>>, %arg4: memref<256x256xf32, #tpu.memory_space<vmem>>, %arg5: memref<16x64xf32, #tpu.memory_space<vmem>>, %arg6: memref<64x64xf32, #tpu.memory_space<vmem>>, %arg7: memref<128x64xf32, #tpu.memory_space<vmem>>, %arg8: memref<192x64xf32, #tpu.memory_space<vmem>>, %arg9: memref<64x64xf32, #tpu.memory_space<vmem>>, %arg10: memref<64x64xf32, #tpu.memory_space<vmem>>, %arg11: memref<256x256xf32, #tpu.memory_space<vmem>>) attributes {dimension_semantics = [#tpu.dimension_semantics<arbitrary>], iteration_bounds = array<i64: 40>, scalar_prefetch = 0 : i64, scratch_operands = 0 : i64, tpu.core_type = #tpu.core_type<tc>, window_params = [{transform_indices = @transform_0, window_bounds = array<i64: 16, 256, 128>}, {transform_indices = @transform_1, window_bounds = array<i64: 16, 256, 16>}, {transform_indices = @transform_2, window_bounds = array<i64: 16, 256, 4>}, {transform_indices = @transform_3, window_bounds = array<i64: 256, 256>}, {pipeline_mode = #tpu.pipeline_mode<synchronous>, transform_indices = @transform_4, window_bounds = array<i64: 16, 64>}, {pipeline_mode = #tpu.pipeline_mode<synchronous>, transform_indices = @transform_5, window_bounds = array<i64: 64, 64>}, {pipeline_mode = #tpu.pipeline_mode<synchronous>, transform_indices = @transform_6, window_bounds = array<i64: 128, 64>}, {pipeline_mode = #tpu.pipeline_mode<synchronous>, transform_indices = @transform_7, window_bounds = array<i64: 192, 64>}, {pipeline_mode = #tpu.pipeline_mode<synchronous>, transform_indices = @transform_8, window_bounds = array<i64: 64, 64>}, {pipeline_mode = #tpu.pipeline_mode<synchronous>, transform_indices = @transform_9, window_bounds = array<i64: 64, 64>}, {transform_indices = @transform_10, window_bounds = array<i64: 256, 256>}]} {
    %get3A = arith.constant 0 : index
    %get3A_0 = arith.constant 0 : index
    %get3A_1 = arith.constant 0 : index
    %get3A_2 = vector.load %arg1[%get3A, %get3A_0, %get3A_1] : memref<16x256x128xf32, #tpu.memory_space<vmem>>, vector<16x256x128xf32>
    %reshape3A = vector.shape_cast %get3A_2 : vector<16x256x128xf32> to vector<4096x128xf32>
    %bitcast_convert_type3A = tpu.bitcast %reshape3A : vector<4096x128xf32> -> vector<4096x128xi32>
    %shift_left3A = arith.constant 16 : i32
    %shift_left3A_3 = vector.broadcast %shift_left3A : i32 to vector<4096x128xi32>
    %shift_left3A_4 = arith.shli %bitcast_convert_type3A, %shift_left3A_3 : vector<4096x128xi32>
    %bitcast_convert_type3A_5 = tpu.bitcast %shift_left3A_4 : vector<4096x128xi32> -> vector<4096x128xf32>
    %and3A = arith.constant -65536 : i32
    %and3A_6 = vector.broadcast %and3A : i32 to vector<4096x128xi32>
    %and3A_7 = arith.andi %bitcast_convert_type3A, %and3A_6 : vector<4096x128xi32>
    %bitcast_convert_type3A_8 = tpu.bitcast %and3A_7 : vector<4096x128xi32> -> vector<4096x128xf32>
    %get3A_9 = arith.constant 0 : index
    %get3A_10 = arith.constant 0 : index
    %get3A_11 = arith.constant 0 : index
    %get3A_12 = vector.load %arg2[%get3A_9, %get3A_10, %get3A_11] : memref<16x256x16xf32, #tpu.memory_space<vmem>>, vector<16x256x16xf32>
    %reshape3A_13 = vector.shape_cast %get3A_12 : vector<16x256x16xf32> to vector<4096x16xf32>
    %get3A_14 = arith.constant 0 : index
    %get3A_15 = arith.constant 0 : index
    %get3A_16 = arith.constant 0 : index
    %get3A_17 = vector.load %arg3[%get3A_14, %get3A_15, %get3A_16] : memref<16x256x4xf32, #tpu.memory_space<vmem>>, vector<16x256x4xf32>
    %reshape3A_18 = vector.shape_cast %get3A_17 : vector<16x256x4xf32> to vector<4096x4xf32>
    %get3A_19 = arith.constant 0 : index
    %get3A_20 = arith.constant 0 : index
    %get3A_21 = vector.load %arg5[%get3A_19, %get3A_20] : memref<16x64xf32, #tpu.memory_space<vmem>>, vector<16x64xf32>
    %dot_general3A = arith.constant dense<0.000000e+00> : vector<4096x64xf32>
    %dot_general3A_22 = tpu.matmul %reshape3A_13, %get3A_21, %dot_general3A {dimension_numbers = #tpu.dot_dimension_numbers<[1], [0], [0], [1], [0, 0, 1, 1], [], []>, transpose_lhs_hint = false} : vector<4096x16xf32>, vector<16x64xf32>, vector<4096x64xf32> -> vector<4096x64xf32>
    %max3A = arith.constant 0.000000e+00 : f32
    %max3A_23 = vector.broadcast %max3A : f32 to vector<4096x64xf32>
    %max3A_24 = arith.maximumf %dot_general3A_22, %max3A_23 : vector<4096x64xf32>
    %abs3A = math.absf %dot_general3A_22 : vector<4096x64xf32>
    %neg3A = arith.constant 0.000000e+00 : f32
    %neg3A_25 = vector.broadcast %neg3A : f32 to vector<4096x64xf32>
    %neg3A_26 = arith.subf %neg3A_25, %abs3A : vector<4096x64xf32>
    %exp3A = math.exp %neg3A_26 : vector<4096x64xf32>
    %add3A = arith.constant 1.000000e+00 : f32
    %add3A_27 = vector.broadcast %add3A : f32 to vector<4096x64xf32>
    %add3A_28 = arith.addf %add3A_27, %exp3A : vector<4096x64xf32>
    %log3A = math.log %add3A_28 : vector<4096x64xf32>
    %add3A_29 = arith.addf %max3A_24, %log3A : vector<4096x64xf32>
    %sub3A = arith.constant 0.693147182 : f32
    %sub3A_30 = vector.broadcast %sub3A : f32 to vector<4096x64xf32>
    %sub3A_31 = arith.subf %add3A_29, %sub3A_30 : vector<4096x64xf32>
    %get3A_32 = arith.constant 0 : index
    %get3A_33 = arith.constant 0 : index
    %get3A_34 = vector.load %arg6[%get3A_32, %get3A_33] : memref<64x64xf32, #tpu.memory_space<vmem>>, vector<64x64xf32>
    %dot_general3A_35 = arith.constant dense<0.000000e+00> : vector<4096x64xf32>
    %dot_general3A_36 = tpu.matmul %sub3A_31, %get3A_34, %dot_general3A_35 {dimension_numbers = #tpu.dot_dimension_numbers<[1], [0], [0], [1], [0, 0, 1, 1], [], []>, transpose_lhs_hint = false} : vector<4096x64xf32>, vector<64x64xf32>, vector<4096x64xf32> -> vector<4096x64xf32>
    %slice3A = vector.extract_strided_slice %bitcast_convert_type3A_5 {offsets = [0, 0], sizes = [4096, 64], strides = [1, 1]} : vector<4096x128xf32> to vector<4096x64xf32>
    %slice3A_37 = vector.extract_strided_slice %bitcast_convert_type3A_5 {offsets = [0, 64], sizes = [4096, 64], strides = [1, 1]} : vector<4096x128xf32> to vector<4096x64xf32>
    %slice3A_38 = vector.extract_strided_slice %bitcast_convert_type3A_8 {offsets = [0, 0], sizes = [4096, 64], strides = [1, 1]} : vector<4096x128xf32> to vector<4096x64xf32>
    %slice3A_39 = vector.extract_strided_slice %bitcast_convert_type3A_8 {offsets = [0, 64], sizes = [4096, 64], strides = [1, 1]} : vector<4096x128xf32> to vector<4096x64xf32>
    %slice3A_40 = vector.extract_strided_slice %reshape3A_18 {offsets = [0, 0], sizes = [4096, 1], strides = [1, 1]} : vector<4096x4xf32> to vector<4096x1xf32>
    %broadcast_in_dim3A = vector.shape_cast %slice3A_40 : vector<4096x1xf32> to vector<4096x1xf32>
    %broadcast_in_dim3A_41 = vector.broadcast %broadcast_in_dim3A : vector<4096x1xf32> to vector<4096x64xf32>
    %slice3A_42 = vector.extract_strided_slice %reshape3A_18 {offsets = [0, 1], sizes = [4096, 1], strides = [1, 1]} : vector<4096x4xf32> to vector<4096x1xf32>
    %broadcast_in_dim3A_43 = vector.shape_cast %slice3A_42 : vector<4096x1xf32> to vector<4096x1xf32>
    %broadcast_in_dim3A_44 = vector.broadcast %broadcast_in_dim3A_43 : vector<4096x1xf32> to vector<4096x64xf32>
    %slice3A_45 = vector.extract_strided_slice %reshape3A_18 {offsets = [0, 2], sizes = [4096, 1], strides = [1, 1]} : vector<4096x4xf32> to vector<4096x1xf32>
    %broadcast_in_dim3A_46 = vector.shape_cast %slice3A_45 : vector<4096x1xf32> to vector<4096x1xf32>
    %broadcast_in_dim3A_47 = vector.broadcast %broadcast_in_dim3A_46 : vector<4096x1xf32> to vector<4096x64xf32>
    %mul3A = arith.mulf %slice3A, %dot_general3A_36 : vector<4096x64xf32>
    %mul3A_48 = arith.mulf %slice3A_37, %dot_general3A_36 : vector<4096x64xf32>
    %mul3A_49 = arith.mulf %slice3A_38, %dot_general3A_36 : vector<4096x64xf32>
    %mul3A_50 = arith.mulf %slice3A_39, %dot_general3A_36 : vector<4096x64xf32>
    %mul3A_51 = arith.mulf %mul3A_48, %broadcast_in_dim3A_41 : vector<4096x64xf32>
    %mul3A_52 = arith.mulf %mul3A_49, %broadcast_in_dim3A_44 : vector<4096x64xf32>
    %add3A_53 = arith.addf %mul3A_51, %mul3A_52 : vector<4096x64xf32>
    %mul3A_54 = arith.mulf %mul3A_50, %broadcast_in_dim3A_47 : vector<4096x64xf32>
    %add3A_55 = arith.addf %add3A_53, %mul3A_54 : vector<4096x64xf32>
    %mul3A_56 = arith.mulf %broadcast_in_dim3A_41, %mul3A : vector<4096x64xf32>
    %mul3A_57 = arith.mulf %broadcast_in_dim3A_44, %mul3A : vector<4096x64xf32>
    %mul3A_58 = arith.mulf %broadcast_in_dim3A_47, %mul3A : vector<4096x64xf32>
    %mul3A_59 = arith.mulf %mul3A_49, %broadcast_in_dim3A_47 : vector<4096x64xf32>
    %mul3A_60 = arith.mulf %mul3A_50, %broadcast_in_dim3A_44 : vector<4096x64xf32>
    %sub3A_61 = arith.subf %mul3A_59, %mul3A_60 : vector<4096x64xf32>
    %mul3A_62 = arith.mulf %mul3A_50, %broadcast_in_dim3A_41 : vector<4096x64xf32>
    %mul3A_63 = arith.mulf %mul3A_48, %broadcast_in_dim3A_47 : vector<4096x64xf32>
    %sub3A_64 = arith.subf %mul3A_62, %mul3A_63 : vector<4096x64xf32>
    %mul3A_65 = arith.mulf %mul3A_48, %broadcast_in_dim3A_44 : vector<4096x64xf32>
    %mul3A_66 = arith.mulf %mul3A_49, %broadcast_in_dim3A_41 : vector<4096x64xf32>
    %sub3A_67 = arith.subf %mul3A_65, %mul3A_66 : vector<4096x64xf32>
    %slice3A_68 = vector.extract_strided_slice %mul3A {offsets = [0, 0], sizes = [256, 64], strides = [1, 1]} : vector<4096x64xf32> to vector<256x64xf32>
    %slice3A_69 = vector.extract_strided_slice %mul3A {offsets = [256, 0], sizes = [256, 64], strides = [1, 1]} : vector<4096x64xf32> to vector<256x64xf32>
    %add3A_70 = arith.addf %slice3A_68, %slice3A_69 : vector<256x64xf32>
    %slice3A_71 = vector.extract_strided_slice %mul3A {offsets = [512, 0], sizes = [256, 64], strides = [1, 1]} : vector<4096x64xf32> to vector<256x64xf32>
    %add3A_72 = arith.addf %add3A_70, %slice3A_71 : vector<256x64xf32>
    %slice3A_73 = vector.extract_strided_slice %mul3A {offsets = [768, 0], sizes = [256, 64], strides = [1, 1]} : vector<4096x64xf32> to vector<256x64xf32>
    %add3A_74 = arith.addf %add3A_72, %slice3A_73 : vector<256x64xf32>
    %slice3A_75 = vector.extract_strided_slice %mul3A {offsets = [1024, 0], sizes = [256, 64], strides = [1, 1]} : vector<4096x64xf32> to vector<256x64xf32>
    %add3A_76 = arith.addf %add3A_74, %slice3A_75 : vector<256x64xf32>
    %slice3A_77 = vector.extract_strided_slice %mul3A {offsets = [1280, 0], sizes = [256, 64], strides = [1, 1]} : vector<4096x64xf32> to vector<256x64xf32>
    %add3A_78 = arith.addf %add3A_76, %slice3A_77 : vector<256x64xf32>
    %slice3A_79 = vector.extract_strided_slice %mul3A {offsets = [1536, 0], sizes = [256, 64], strides = [1, 1]} : vector<4096x64xf32> to vector<256x64xf32>
    %add3A_80 = arith.addf %add3A_78, %slice3A_79 : vector<256x64xf32>
    %slice3A_81 = vector.extract_strided_slice %mul3A {offsets = [1792, 0], sizes = [256, 64], strides = [1, 1]} : vector<4096x64xf32> to vector<256x64xf32>
    %add3A_82 = arith.addf %add3A_80, %slice3A_81 : vector<256x64xf32>
    %slice3A_83 = vector.extract_strided_slice %mul3A {offsets = [2048, 0], sizes = [256, 64], strides = [1, 1]} : vector<4096x64xf32> to vector<256x64xf32>
    %add3A_84 = arith.addf %add3A_82, %slice3A_83 : vector<256x64xf32>
    %slice3A_85 = vector.extract_strided_slice %mul3A {offsets = [2304, 0], sizes = [256, 64], strides = [1, 1]} : vector<4096x64xf32> to vector<256x64xf32>
    %add3A_86 = arith.addf %add3A_84, %slice3A_85 : vector<256x64xf32>
    %slice3A_87 = vector.extract_strided_slice %mul3A {offsets = [2560, 0], sizes = [256, 64], strides = [1, 1]} : vector<4096x64xf32> to vector<256x64xf32>
    %add3A_88 = arith.addf %add3A_86, %slice3A_87 : vector<256x64xf32>
    %slice3A_89 = vector.extract_strided_slice %mul3A {offsets = [2816, 0], sizes = [256, 64], strides = [1, 1]} : vector<4096x64xf32> to vector<256x64xf32>
    %add3A_90 = arith.addf %add3A_88, %slice3A_89 : vector<256x64xf32>
    %slice3A_91 = vector.extract_strided_slice %mul3A {offsets = [3072, 0], sizes = [256, 64], strides = [1, 1]} : vector<4096x64xf32> to vector<256x64xf32>
    %add3A_92 = arith.addf %add3A_90, %slice3A_91 : vector<256x64xf32>
    %slice3A_93 = vector.extract_strided_slice %mul3A {offsets = [3328, 0], sizes = [256, 64], strides = [1, 1]} : vector<4096x64xf32> to vector<256x64xf32>
    %add3A_94 = arith.addf %add3A_92, %slice3A_93 : vector<256x64xf32>
    %slice3A_95 = vector.extract_strided_slice %mul3A {offsets = [3584, 0], sizes = [256, 64], strides = [1, 1]} : vector<4096x64xf32> to vector<256x64xf32>
    %add3A_96 = arith.addf %add3A_94, %slice3A_95 : vector<256x64xf32>
    %slice3A_97 = vector.extract_strided_slice %mul3A {offsets = [3840, 0], sizes = [256, 64], strides = [1, 1]} : vector<4096x64xf32> to vector<256x64xf32>
    %add3A_98 = arith.addf %add3A_96, %slice3A_97 : vector<256x64xf32>
    %slice3A_99 = vector.extract_strided_slice %add3A_55 {offsets = [0, 0], sizes = [256, 64], strides = [1, 1]} : vector<4096x64xf32> to vector<256x64xf32>
    %slice3A_100 = vector.extract_strided_slice %add3A_55 {offsets = [256, 0], sizes = [256, 64], strides = [1, 1]} : vector<4096x64xf32> to vector<256x64xf32>
    %add3A_101 = arith.addf %slice3A_99, %slice3A_100 : vector<256x64xf32>
    %slice3A_102 = vector.extract_strided_slice %add3A_55 {offsets = [512, 0], sizes = [256, 64], strides = [1, 1]} : vector<4096x64xf32> to vector<256x64xf32>
    %add3A_103 = arith.addf %add3A_101, %slice3A_102 : vector<256x64xf32>
    %slice3A_104 = vector.extract_strided_slice %add3A_55 {offsets = [768, 0], sizes = [256, 64], strides = [1, 1]} : vector<4096x64xf32> to vector<256x64xf32>
    %add3A_105 = arith.addf %add3A_103, %slice3A_104 : vector<256x64xf32>
    %slice3A_106 = vector.extract_strided_slice %add3A_55 {offsets = [1024, 0], sizes = [256, 64], strides = [1, 1]} : vector<4096x64xf32> to vector<256x64xf32>
    %add3A_107 = arith.addf %add3A_105, %slice3A_106 : vector<256x64xf32>
    %slice3A_108 = vector.extract_strided_slice %add3A_55 {offsets = [1280, 0], sizes = [256, 64], strides = [1, 1]} : vector<4096x64xf32> to vector<256x64xf32>
    %add3A_109 = arith.addf %add3A_107, %slice3A_108 : vector<256x64xf32>
    %slice3A_110 = vector.extract_strided_slice %add3A_55 {offsets = [1536, 0], sizes = [256, 64], strides = [1, 1]} : vector<4096x64xf32> to vector<256x64xf32>
    %add3A_111 = arith.addf %add3A_109, %slice3A_110 : vector<256x64xf32>
    %slice3A_112 = vector.extract_strided_slice %add3A_55 {offsets = [1792, 0], sizes = [256, 64], strides = [1, 1]} : vector<4096x64xf32> to vector<256x64xf32>
    %add3A_113 = arith.addf %add3A_111, %slice3A_112 : vector<256x64xf32>
    %slice3A_114 = vector.extract_strided_slice %add3A_55 {offsets = [2048, 0], sizes = [256, 64], strides = [1, 1]} : vector<4096x64xf32> to vector<256x64xf32>
    %add3A_115 = arith.addf %add3A_113, %slice3A_114 : vector<256x64xf32>
    %slice3A_116 = vector.extract_strided_slice %add3A_55 {offsets = [2304, 0], sizes = [256, 64], strides = [1, 1]} : vector<4096x64xf32> to vector<256x64xf32>
    %add3A_117 = arith.addf %add3A_115, %slice3A_116 : vector<256x64xf32>
    %slice3A_118 = vector.extract_strided_slice %add3A_55 {offsets = [2560, 0], sizes = [256, 64], strides = [1, 1]} : vector<4096x64xf32> to vector<256x64xf32>
    %add3A_119 = arith.addf %add3A_117, %slice3A_118 : vector<256x64xf32>
    %slice3A_120 = vector.extract_strided_slice %add3A_55 {offsets = [2816, 0], sizes = [256, 64], strides = [1, 1]} : vector<4096x64xf32> to vector<256x64xf32>
    %add3A_121 = arith.addf %add3A_119, %slice3A_120 : vector<256x64xf32>
    %slice3A_122 = vector.extract_strided_slice %add3A_55 {offsets = [3072, 0], sizes = [256, 64], strides = [1, 1]} : vector<4096x64xf32> to vector<256x64xf32>
    %add3A_123 = arith.addf %add3A_121, %slice3A_122 : vector<256x64xf32>
    %slice3A_124 = vector.extract_strided_slice %add3A_55 {offsets = [3328, 0], sizes = [256, 64], strides = [1, 1]} : vector<4096x64xf32> to vector<256x64xf32>
    %add3A_125 = arith.addf %add3A_123, %slice3A_124 : vector<256x64xf32>
    %slice3A_126 = vector.extract_strided_slice %add3A_55 {offsets = [3584, 0], sizes = [256, 64], strides = [1, 1]} : vector<4096x64xf32> to vector<256x64xf32>
    %add3A_127 = arith.addf %add3A_125, %slice3A_126 : vector<256x64xf32>
    %slice3A_128 = vector.extract_strided_slice %add3A_55 {offsets = [3840, 0], sizes = [256, 64], strides = [1, 1]} : vector<4096x64xf32> to vector<256x64xf32>
    %add3A_129 = arith.addf %add3A_127, %slice3A_128 : vector<256x64xf32>
    %slice3A_130 = vector.extract_strided_slice %mul3A_56 {offsets = [0, 0], sizes = [256, 64], strides = [1, 1]} : vector<4096x64xf32> to vector<256x64xf32>
    %slice3A_131 = vector.extract_strided_slice %mul3A_56 {offsets = [256, 0], sizes = [256, 64], strides = [1, 1]} : vector<4096x64xf32> to vector<256x64xf32>
    %add3A_132 = arith.addf %slice3A_130, %slice3A_131 : vector<256x64xf32>
    %slice3A_133 = vector.extract_strided_slice %mul3A_56 {offsets = [512, 0], sizes = [256, 64], strides = [1, 1]} : vector<4096x64xf32> to vector<256x64xf32>
    %add3A_134 = arith.addf %add3A_132, %slice3A_133 : vector<256x64xf32>
    %slice3A_135 = vector.extract_strided_slice %mul3A_56 {offsets = [768, 0], sizes = [256, 64], strides = [1, 1]} : vector<4096x64xf32> to vector<256x64xf32>
    %add3A_136 = arith.addf %add3A_134, %slice3A_135 : vector<256x64xf32>
    %slice3A_137 = vector.extract_strided_slice %mul3A_56 {offsets = [1024, 0], sizes = [256, 64], strides = [1, 1]} : vector<4096x64xf32> to vector<256x64xf32>
    %add3A_138 = arith.addf %add3A_136, %slice3A_137 : vector<256x64xf32>
    %slice3A_139 = vector.extract_strided_slice %mul3A_56 {offsets = [1280, 0], sizes = [256, 64], strides = [1, 1]} : vector<4096x64xf32> to vector<256x64xf32>
    %add3A_140 = arith.addf %add3A_138, %slice3A_139 : vector<256x64xf32>
    %slice3A_141 = vector.extract_strided_slice %mul3A_56 {offsets = [1536, 0], sizes = [256, 64], strides = [1, 1]} : vector<4096x64xf32> to vector<256x64xf32>
    %add3A_142 = arith.addf %add3A_140, %slice3A_141 : vector<256x64xf32>
    %slice3A_143 = vector.extract_strided_slice %mul3A_56 {offsets = [1792, 0], sizes = [256, 64], strides = [1, 1]} : vector<4096x64xf32> to vector<256x64xf32>
    %add3A_144 = arith.addf %add3A_142, %slice3A_143 : vector<256x64xf32>
    %slice3A_145 = vector.extract_strided_slice %mul3A_56 {offsets = [2048, 0], sizes = [256, 64], strides = [1, 1]} : vector<4096x64xf32> to vector<256x64xf32>
    %add3A_146 = arith.addf %add3A_144, %slice3A_145 : vector<256x64xf32>
    %slice3A_147 = vector.extract_strided_slice %mul3A_56 {offsets = [2304, 0], sizes = [256, 64], strides = [1, 1]} : vector<4096x64xf32> to vector<256x64xf32>
    %add3A_148 = arith.addf %add3A_146, %slice3A_147 : vector<256x64xf32>
    %slice3A_149 = vector.extract_strided_slice %mul3A_56 {offsets = [2560, 0], sizes = [256, 64], strides = [1, 1]} : vector<4096x64xf32> to vector<256x64xf32>
    %add3A_150 = arith.addf %add3A_148, %slice3A_149 : vector<256x64xf32>
    %slice3A_151 = vector.extract_strided_slice %mul3A_56 {offsets = [2816, 0], sizes = [256, 64], strides = [1, 1]} : vector<4096x64xf32> to vector<256x64xf32>
    %add3A_152 = arith.addf %add3A_150, %slice3A_151 : vector<256x64xf32>
    %slice3A_153 = vector.extract_strided_slice %mul3A_56 {offsets = [3072, 0], sizes = [256, 64], strides = [1, 1]} : vector<4096x64xf32> to vector<256x64xf32>
    %add3A_154 = arith.addf %add3A_152, %slice3A_153 : vector<256x64xf32>
    %slice3A_155 = vector.extract_strided_slice %mul3A_56 {offsets = [3328, 0], sizes = [256, 64], strides = [1, 1]} : vector<4096x64xf32> to vector<256x64xf32>
    %add3A_156 = arith.addf %add3A_154, %slice3A_155 : vector<256x64xf32>
    %slice3A_157 = vector.extract_strided_slice %mul3A_56 {offsets = [3584, 0], sizes = [256, 64], strides = [1, 1]} : vector<4096x64xf32> to vector<256x64xf32>
    %add3A_158 = arith.addf %add3A_156, %slice3A_157 : vector<256x64xf32>
    %slice3A_159 = vector.extract_strided_slice %mul3A_56 {offsets = [3840, 0], sizes = [256, 64], strides = [1, 1]} : vector<4096x64xf32> to vector<256x64xf32>
    %add3A_160 = arith.addf %add3A_158, %slice3A_159 : vector<256x64xf32>
    %slice3A_161 = vector.extract_strided_slice %mul3A_57 {offsets = [0, 0], sizes = [256, 64], strides = [1, 1]} : vector<4096x64xf32> to vector<256x64xf32>
    %slice3A_162 = vector.extract_strided_slice %mul3A_57 {offsets = [256, 0], sizes = [256, 64], strides = [1, 1]} : vector<4096x64xf32> to vector<256x64xf32>
    %add3A_163 = arith.addf %slice3A_161, %slice3A_162 : vector<256x64xf32>
    %slice3A_164 = vector.extract_strided_slice %mul3A_57 {offsets = [512, 0], sizes = [256, 64], strides = [1, 1]} : vector<4096x64xf32> to vector<256x64xf32>
    %add3A_165 = arith.addf %add3A_163, %slice3A_164 : vector<256x64xf32>
    %slice3A_166 = vector.extract_strided_slice %mul3A_57 {offsets = [768, 0], sizes = [256, 64], strides = [1, 1]} : vector<4096x64xf32> to vector<256x64xf32>
    %add3A_167 = arith.addf %add3A_165, %slice3A_166 : vector<256x64xf32>
    %slice3A_168 = vector.extract_strided_slice %mul3A_57 {offsets = [1024, 0], sizes = [256, 64], strides = [1, 1]} : vector<4096x64xf32> to vector<256x64xf32>
    %add3A_169 = arith.addf %add3A_167, %slice3A_168 : vector<256x64xf32>
    %slice3A_170 = vector.extract_strided_slice %mul3A_57 {offsets = [1280, 0], sizes = [256, 64], strides = [1, 1]} : vector<4096x64xf32> to vector<256x64xf32>
    %add3A_171 = arith.addf %add3A_169, %slice3A_170 : vector<256x64xf32>
    %slice3A_172 = vector.extract_strided_slice %mul3A_57 {offsets = [1536, 0], sizes = [256, 64], strides = [1, 1]} : vector<4096x64xf32> to vector<256x64xf32>
    %add3A_173 = arith.addf %add3A_171, %slice3A_172 : vector<256x64xf32>
    %slice3A_174 = vector.extract_strided_slice %mul3A_57 {offsets = [1792, 0], sizes = [256, 64], strides = [1, 1]} : vector<4096x64xf32> to vector<256x64xf32>
    %add3A_175 = arith.addf %add3A_173, %slice3A_174 : vector<256x64xf32>
    %slice3A_176 = vector.extract_strided_slice %mul3A_57 {offsets = [2048, 0], sizes = [256, 64], strides = [1, 1]} : vector<4096x64xf32> to vector<256x64xf32>
    %add3A_177 = arith.addf %add3A_175, %slice3A_176 : vector<256x64xf32>
    %slice3A_178 = vector.extract_strided_slice %mul3A_57 {offsets = [2304, 0], sizes = [256, 64], strides = [1, 1]} : vector<4096x64xf32> to vector<256x64xf32>
    %add3A_179 = arith.addf %add3A_177, %slice3A_178 : vector<256x64xf32>
    %slice3A_180 = vector.extract_strided_slice %mul3A_57 {offsets = [2560, 0], sizes = [256, 64], strides = [1, 1]} : vector<4096x64xf32> to vector<256x64xf32>
    %add3A_181 = arith.addf %add3A_179, %slice3A_180 : vector<256x64xf32>
    %slice3A_182 = vector.extract_strided_slice %mul3A_57 {offsets = [2816, 0], sizes = [256, 64], strides = [1, 1]} : vector<4096x64xf32> to vector<256x64xf32>
    %add3A_183 = arith.addf %add3A_181, %slice3A_182 : vector<256x64xf32>
    %slice3A_184 = vector.extract_strided_slice %mul3A_57 {offsets = [3072, 0], sizes = [256, 64], strides = [1, 1]} : vector<4096x64xf32> to vector<256x64xf32>
    %add3A_185 = arith.addf %add3A_183, %slice3A_184 : vector<256x64xf32>
    %slice3A_186 = vector.extract_strided_slice %mul3A_57 {offsets = [3328, 0], sizes = [256, 64], strides = [1, 1]} : vector<4096x64xf32> to vector<256x64xf32>
    %add3A_187 = arith.addf %add3A_185, %slice3A_186 : vector<256x64xf32>
    %slice3A_188 = vector.extract_strided_slice %mul3A_57 {offsets = [3584, 0], sizes = [256, 64], strides = [1, 1]} : vector<4096x64xf32> to vector<256x64xf32>
    %add3A_189 = arith.addf %add3A_187, %slice3A_188 : vector<256x64xf32>
    %slice3A_190 = vector.extract_strided_slice %mul3A_57 {offsets = [3840, 0], sizes = [256, 64], strides = [1, 1]} : vector<4096x64xf32> to vector<256x64xf32>
    %add3A_191 = arith.addf %add3A_189, %slice3A_190 : vector<256x64xf32>
    %slice3A_192 = vector.extract_strided_slice %mul3A_58 {offsets = [0, 0], sizes = [256, 64], strides = [1, 1]} : vector<4096x64xf32> to vector<256x64xf32>
    %slice3A_193 = vector.extract_strided_slice %mul3A_58 {offsets = [256, 0], sizes = [256, 64], strides = [1, 1]} : vector<4096x64xf32> to vector<256x64xf32>
    %add3A_194 = arith.addf %slice3A_192, %slice3A_193 : vector<256x64xf32>
    %slice3A_195 = vector.extract_strided_slice %mul3A_58 {offsets = [512, 0], sizes = [256, 64], strides = [1, 1]} : vector<4096x64xf32> to vector<256x64xf32>
    %add3A_196 = arith.addf %add3A_194, %slice3A_195 : vector<256x64xf32>
    %slice3A_197 = vector.extract_strided_slice %mul3A_58 {offsets = [768, 0], sizes = [256, 64], strides = [1, 1]} : vector<4096x64xf32> to vector<256x64xf32>
    %add3A_198 = arith.addf %add3A_196, %slice3A_197 : vector<256x64xf32>
    %slice3A_199 = vector.extract_strided_slice %mul3A_58 {offsets = [1024, 0], sizes = [256, 64], strides = [1, 1]} : vector<4096x64xf32> to vector<256x64xf32>
    %add3A_200 = arith.addf %add3A_198, %slice3A_199 : vector<256x64xf32>
    %slice3A_201 = vector.extract_strided_slice %mul3A_58 {offsets = [1280, 0], sizes = [256, 64], strides = [1, 1]} : vector<4096x64xf32> to vector<256x64xf32>
    %add3A_202 = arith.addf %add3A_200, %slice3A_201 : vector<256x64xf32>
    %slice3A_203 = vector.extract_strided_slice %mul3A_58 {offsets = [1536, 0], sizes = [256, 64], strides = [1, 1]} : vector<4096x64xf32> to vector<256x64xf32>
    %add3A_204 = arith.addf %add3A_202, %slice3A_203 : vector<256x64xf32>
    %slice3A_205 = vector.extract_strided_slice %mul3A_58 {offsets = [1792, 0], sizes = [256, 64], strides = [1, 1]} : vector<4096x64xf32> to vector<256x64xf32>
    %add3A_206 = arith.addf %add3A_204, %slice3A_205 : vector<256x64xf32>
    %slice3A_207 = vector.extract_strided_slice %mul3A_58 {offsets = [2048, 0], sizes = [256, 64], strides = [1, 1]} : vector<4096x64xf32> to vector<256x64xf32>
    %add3A_208 = arith.addf %add3A_206, %slice3A_207 : vector<256x64xf32>
    %slice3A_209 = vector.extract_strided_slice %mul3A_58 {offsets = [2304, 0], sizes = [256, 64], strides = [1, 1]} : vector<4096x64xf32> to vector<256x64xf32>
    %add3A_210 = arith.addf %add3A_208, %slice3A_209 : vector<256x64xf32>
    %slice3A_211 = vector.extract_strided_slice %mul3A_58 {offsets = [2560, 0], sizes = [256, 64], strides = [1, 1]} : vector<4096x64xf32> to vector<256x64xf32>
    %add3A_212 = arith.addf %add3A_210, %slice3A_211 : vector<256x64xf32>
    %slice3A_213 = vector.extract_strided_slice %mul3A_58 {offsets = [2816, 0], sizes = [256, 64], strides = [1, 1]} : vector<4096x64xf32> to vector<256x64xf32>
    %add3A_214 = arith.addf %add3A_212, %slice3A_213 : vector<256x64xf32>
    %slice3A_215 = vector.extract_strided_slice %mul3A_58 {offsets = [3072, 0], sizes = [256, 64], strides = [1, 1]} : vector<4096x64xf32> to vector<256x64xf32>
    %add3A_216 = arith.addf %add3A_214, %slice3A_215 : vector<256x64xf32>
    %slice3A_217 = vector.extract_strided_slice %mul3A_58 {offsets = [3328, 0], sizes = [256, 64], strides = [1, 1]} : vector<4096x64xf32> to vector<256x64xf32>
    %add3A_218 = arith.addf %add3A_216, %slice3A_217 : vector<256x64xf32>
    %slice3A_219 = vector.extract_strided_slice %mul3A_58 {offsets = [3584, 0], sizes = [256, 64], strides = [1, 1]} : vector<4096x64xf32> to vector<256x64xf32>
    %add3A_220 = arith.addf %add3A_218, %slice3A_219 : vector<256x64xf32>
    %slice3A_221 = vector.extract_strided_slice %mul3A_58 {offsets = [3840, 0], sizes = [256, 64], strides = [1, 1]} : vector<4096x64xf32> to vector<256x64xf32>
    %add3A_222 = arith.addf %add3A_220, %slice3A_221 : vector<256x64xf32>
    %slice3A_223 = vector.extract_strided_slice %mul3A_48 {offsets = [0, 0], sizes = [256, 64], strides = [1, 1]} : vector<4096x64xf32> to vector<256x64xf32>
    %slice3A_224 = vector.extract_strided_slice %mul3A_48 {offsets = [256, 0], sizes = [256, 64], strides = [1, 1]} : vector<4096x64xf32> to vector<256x64xf32>
    %add3A_225 = arith.addf %slice3A_223, %slice3A_224 : vector<256x64xf32>
    %slice3A_226 = vector.extract_strided_slice %mul3A_48 {offsets = [512, 0], sizes = [256, 64], strides = [1, 1]} : vector<4096x64xf32> to vector<256x64xf32>
    %add3A_227 = arith.addf %add3A_225, %slice3A_226 : vector<256x64xf32>
    %slice3A_228 = vector.extract_strided_slice %mul3A_48 {offsets = [768, 0], sizes = [256, 64], strides = [1, 1]} : vector<4096x64xf32> to vector<256x64xf32>
    %add3A_229 = arith.addf %add3A_227, %slice3A_228 : vector<256x64xf32>
    %slice3A_230 = vector.extract_strided_slice %mul3A_48 {offsets = [1024, 0], sizes = [256, 64], strides = [1, 1]} : vector<4096x64xf32> to vector<256x64xf32>
    %add3A_231 = arith.addf %add3A_229, %slice3A_230 : vector<256x64xf32>
    %slice3A_232 = vector.extract_strided_slice %mul3A_48 {offsets = [1280, 0], sizes = [256, 64], strides = [1, 1]} : vector<4096x64xf32> to vector<256x64xf32>
    %add3A_233 = arith.addf %add3A_231, %slice3A_232 : vector<256x64xf32>
    %slice3A_234 = vector.extract_strided_slice %mul3A_48 {offsets = [1536, 0], sizes = [256, 64], strides = [1, 1]} : vector<4096x64xf32> to vector<256x64xf32>
    %add3A_235 = arith.addf %add3A_233, %slice3A_234 : vector<256x64xf32>
    %slice3A_236 = vector.extract_strided_slice %mul3A_48 {offsets = [1792, 0], sizes = [256, 64], strides = [1, 1]} : vector<4096x64xf32> to vector<256x64xf32>
    %add3A_237 = arith.addf %add3A_235, %slice3A_236 : vector<256x64xf32>
    %slice3A_238 = vector.extract_strided_slice %mul3A_48 {offsets = [2048, 0], sizes = [256, 64], strides = [1, 1]} : vector<4096x64xf32> to vector<256x64xf32>
    %add3A_239 = arith.addf %add3A_237, %slice3A_238 : vector<256x64xf32>
    %slice3A_240 = vector.extract_strided_slice %mul3A_48 {offsets = [2304, 0], sizes = [256, 64], strides = [1, 1]} : vector<4096x64xf32> to vector<256x64xf32>
    %add3A_241 = arith.addf %add3A_239, %slice3A_240 : vector<256x64xf32>
    %slice3A_242 = vector.extract_strided_slice %mul3A_48 {offsets = [2560, 0], sizes = [256, 64], strides = [1, 1]} : vector<4096x64xf32> to vector<256x64xf32>
    %add3A_243 = arith.addf %add3A_241, %slice3A_242 : vector<256x64xf32>
    %slice3A_244 = vector.extract_strided_slice %mul3A_48 {offsets = [2816, 0], sizes = [256, 64], strides = [1, 1]} : vector<4096x64xf32> to vector<256x64xf32>
    %add3A_245 = arith.addf %add3A_243, %slice3A_244 : vector<256x64xf32>
    %slice3A_246 = vector.extract_strided_slice %mul3A_48 {offsets = [3072, 0], sizes = [256, 64], strides = [1, 1]} : vector<4096x64xf32> to vector<256x64xf32>
    %add3A_247 = arith.addf %add3A_245, %slice3A_246 : vector<256x64xf32>
    %slice3A_248 = vector.extract_strided_slice %mul3A_48 {offsets = [3328, 0], sizes = [256, 64], strides = [1, 1]} : vector<4096x64xf32> to vector<256x64xf32>
    %add3A_249 = arith.addf %add3A_247, %slice3A_248 : vector<256x64xf32>
    %slice3A_250 = vector.extract_strided_slice %mul3A_48 {offsets = [3584, 0], sizes = [256, 64], strides = [1, 1]} : vector<4096x64xf32> to vector<256x64xf32>
    %add3A_251 = arith.addf %add3A_249, %slice3A_250 : vector<256x64xf32>
    %slice3A_252 = vector.extract_strided_slice %mul3A_48 {offsets = [3840, 0], sizes = [256, 64], strides = [1, 1]} : vector<4096x64xf32> to vector<256x64xf32>
    %add3A_253 = arith.addf %add3A_251, %slice3A_252 : vector<256x64xf32>
    %slice3A_254 = vector.extract_strided_slice %mul3A_49 {offsets = [0, 0], sizes = [256, 64], strides = [1, 1]} : vector<4096x64xf32> to vector<256x64xf32>
    %slice3A_255 = vector.extract_strided_slice %mul3A_49 {offsets = [256, 0], sizes = [256, 64], strides = [1, 1]} : vector<4096x64xf32> to vector<256x64xf32>
    %add3A_256 = arith.addf %slice3A_254, %slice3A_255 : vector<256x64xf32>
    %slice3A_257 = vector.extract_strided_slice %mul3A_49 {offsets = [512, 0], sizes = [256, 64], strides = [1, 1]} : vector<4096x64xf32> to vector<256x64xf32>
    %add3A_258 = arith.addf %add3A_256, %slice3A_257 : vector<256x64xf32>
    %slice3A_259 = vector.extract_strided_slice %mul3A_49 {offsets = [768, 0], sizes = [256, 64], strides = [1, 1]} : vector<4096x64xf32> to vector<256x64xf32>
    %add3A_260 = arith.addf %add3A_258, %slice3A_259 : vector<256x64xf32>
    %slice3A_261 = vector.extract_strided_slice %mul3A_49 {offsets = [1024, 0], sizes = [256, 64], strides = [1, 1]} : vector<4096x64xf32> to vector<256x64xf32>
    %add3A_262 = arith.addf %add3A_260, %slice3A_261 : vector<256x64xf32>
    %slice3A_263 = vector.extract_strided_slice %mul3A_49 {offsets = [1280, 0], sizes = [256, 64], strides = [1, 1]} : vector<4096x64xf32> to vector<256x64xf32>
    %add3A_264 = arith.addf %add3A_262, %slice3A_263 : vector<256x64xf32>
    %slice3A_265 = vector.extract_strided_slice %mul3A_49 {offsets = [1536, 0], sizes = [256, 64], strides = [1, 1]} : vector<4096x64xf32> to vector<256x64xf32>
    %add3A_266 = arith.addf %add3A_264, %slice3A_265 : vector<256x64xf32>
    %slice3A_267 = vector.extract_strided_slice %mul3A_49 {offsets = [1792, 0], sizes = [256, 64], strides = [1, 1]} : vector<4096x64xf32> to vector<256x64xf32>
    %add3A_268 = arith.addf %add3A_266, %slice3A_267 : vector<256x64xf32>
    %slice3A_269 = vector.extract_strided_slice %mul3A_49 {offsets = [2048, 0], sizes = [256, 64], strides = [1, 1]} : vector<4096x64xf32> to vector<256x64xf32>
    %add3A_270 = arith.addf %add3A_268, %slice3A_269 : vector<256x64xf32>
    %slice3A_271 = vector.extract_strided_slice %mul3A_49 {offsets = [2304, 0], sizes = [256, 64], strides = [1, 1]} : vector<4096x64xf32> to vector<256x64xf32>
    %add3A_272 = arith.addf %add3A_270, %slice3A_271 : vector<256x64xf32>
    %slice3A_273 = vector.extract_strided_slice %mul3A_49 {offsets = [2560, 0], sizes = [256, 64], strides = [1, 1]} : vector<4096x64xf32> to vector<256x64xf32>
    %add3A_274 = arith.addf %add3A_272, %slice3A_273 : vector<256x64xf32>
    %slice3A_275 = vector.extract_strided_slice %mul3A_49 {offsets = [2816, 0], sizes = [256, 64], strides = [1, 1]} : vector<4096x64xf32> to vector<256x64xf32>
    %add3A_276 = arith.addf %add3A_274, %slice3A_275 : vector<256x64xf32>
    %slice3A_277 = vector.extract_strided_slice %mul3A_49 {offsets = [3072, 0], sizes = [256, 64], strides = [1, 1]} : vector<4096x64xf32> to vector<256x64xf32>
    %add3A_278 = arith.addf %add3A_276, %slice3A_277 : vector<256x64xf32>
    %slice3A_279 = vector.extract_strided_slice %mul3A_49 {offsets = [3328, 0], sizes = [256, 64], strides = [1, 1]} : vector<4096x64xf32> to vector<256x64xf32>
    %add3A_280 = arith.addf %add3A_278, %slice3A_279 : vector<256x64xf32>
    %slice3A_281 = vector.extract_strided_slice %mul3A_49 {offsets = [3584, 0], sizes = [256, 64], strides = [1, 1]} : vector<4096x64xf32> to vector<256x64xf32>
    %add3A_282 = arith.addf %add3A_280, %slice3A_281 : vector<256x64xf32>
    %slice3A_283 = vector.extract_strided_slice %mul3A_49 {offsets = [3840, 0], sizes = [256, 64], strides = [1, 1]} : vector<4096x64xf32> to vector<256x64xf32>
    %add3A_284 = arith.addf %add3A_282, %slice3A_283 : vector<256x64xf32>
    %slice3A_285 = vector.extract_strided_slice %mul3A_50 {offsets = [0, 0], sizes = [256, 64], strides = [1, 1]} : vector<4096x64xf32> to vector<256x64xf32>
    %slice3A_286 = vector.extract_strided_slice %mul3A_50 {offsets = [256, 0], sizes = [256, 64], strides = [1, 1]} : vector<4096x64xf32> to vector<256x64xf32>
    %add3A_287 = arith.addf %slice3A_285, %slice3A_286 : vector<256x64xf32>
    %slice3A_288 = vector.extract_strided_slice %mul3A_50 {offsets = [512, 0], sizes = [256, 64], strides = [1, 1]} : vector<4096x64xf32> to vector<256x64xf32>
    %add3A_289 = arith.addf %add3A_287, %slice3A_288 : vector<256x64xf32>
    %slice3A_290 = vector.extract_strided_slice %mul3A_50 {offsets = [768, 0], sizes = [256, 64], strides = [1, 1]} : vector<4096x64xf32> to vector<256x64xf32>
    %add3A_291 = arith.addf %add3A_289, %slice3A_290 : vector<256x64xf32>
    %slice3A_292 = vector.extract_strided_slice %mul3A_50 {offsets = [1024, 0], sizes = [256, 64], strides = [1, 1]} : vector<4096x64xf32> to vector<256x64xf32>
    %add3A_293 = arith.addf %add3A_291, %slice3A_292 : vector<256x64xf32>
    %slice3A_294 = vector.extract_strided_slice %mul3A_50 {offsets = [1280, 0], sizes = [256, 64], strides = [1, 1]} : vector<4096x64xf32> to vector<256x64xf32>
    %add3A_295 = arith.addf %add3A_293, %slice3A_294 : vector<256x64xf32>
    %slice3A_296 = vector.extract_strided_slice %mul3A_50 {offsets = [1536, 0], sizes = [256, 64], strides = [1, 1]} : vector<4096x64xf32> to vector<256x64xf32>
    %add3A_297 = arith.addf %add3A_295, %slice3A_296 : vector<256x64xf32>
    %slice3A_298 = vector.extract_strided_slice %mul3A_50 {offsets = [1792, 0], sizes = [256, 64], strides = [1, 1]} : vector<4096x64xf32> to vector<256x64xf32>
    %add3A_299 = arith.addf %add3A_297, %slice3A_298 : vector<256x64xf32>
    %slice3A_300 = vector.extract_strided_slice %mul3A_50 {offsets = [2048, 0], sizes = [256, 64], strides = [1, 1]} : vector<4096x64xf32> to vector<256x64xf32>
    %add3A_301 = arith.addf %add3A_299, %slice3A_300 : vector<256x64xf32>
    %slice3A_302 = vector.extract_strided_slice %mul3A_50 {offsets = [2304, 0], sizes = [256, 64], strides = [1, 1]} : vector<4096x64xf32> to vector<256x64xf32>
    %add3A_303 = arith.addf %add3A_301, %slice3A_302 : vector<256x64xf32>
    %slice3A_304 = vector.extract_strided_slice %mul3A_50 {offsets = [2560, 0], sizes = [256, 64], strides = [1, 1]} : vector<4096x64xf32> to vector<256x64xf32>
    %add3A_305 = arith.addf %add3A_303, %slice3A_304 : vector<256x64xf32>
    %slice3A_306 = vector.extract_strided_slice %mul3A_50 {offsets = [2816, 0], sizes = [256, 64], strides = [1, 1]} : vector<4096x64xf32> to vector<256x64xf32>
    %add3A_307 = arith.addf %add3A_305, %slice3A_306 : vector<256x64xf32>
    %slice3A_308 = vector.extract_strided_slice %mul3A_50 {offsets = [3072, 0], sizes = [256, 64], strides = [1, 1]} : vector<4096x64xf32> to vector<256x64xf32>
    %add3A_309 = arith.addf %add3A_307, %slice3A_308 : vector<256x64xf32>
    %slice3A_310 = vector.extract_strided_slice %mul3A_50 {offsets = [3328, 0], sizes = [256, 64], strides = [1, 1]} : vector<4096x64xf32> to vector<256x64xf32>
    %add3A_311 = arith.addf %add3A_309, %slice3A_310 : vector<256x64xf32>
    %slice3A_312 = vector.extract_strided_slice %mul3A_50 {offsets = [3584, 0], sizes = [256, 64], strides = [1, 1]} : vector<4096x64xf32> to vector<256x64xf32>
    %add3A_313 = arith.addf %add3A_311, %slice3A_312 : vector<256x64xf32>
    %slice3A_314 = vector.extract_strided_slice %mul3A_50 {offsets = [3840, 0], sizes = [256, 64], strides = [1, 1]} : vector<4096x64xf32> to vector<256x64xf32>
    %add3A_315 = arith.addf %add3A_313, %slice3A_314 : vector<256x64xf32>
    %slice3A_316 = vector.extract_strided_slice %sub3A_61 {offsets = [0, 0], sizes = [256, 64], strides = [1, 1]} : vector<4096x64xf32> to vector<256x64xf32>
    %slice3A_317 = vector.extract_strided_slice %sub3A_61 {offsets = [256, 0], sizes = [256, 64], strides = [1, 1]} : vector<4096x64xf32> to vector<256x64xf32>
    %add3A_318 = arith.addf %slice3A_316, %slice3A_317 : vector<256x64xf32>
    %slice3A_319 = vector.extract_strided_slice %sub3A_61 {offsets = [512, 0], sizes = [256, 64], strides = [1, 1]} : vector<4096x64xf32> to vector<256x64xf32>
    %add3A_320 = arith.addf %add3A_318, %slice3A_319 : vector<256x64xf32>
    %slice3A_321 = vector.extract_strided_slice %sub3A_61 {offsets = [768, 0], sizes = [256, 64], strides = [1, 1]} : vector<4096x64xf32> to vector<256x64xf32>
    %add3A_322 = arith.addf %add3A_320, %slice3A_321 : vector<256x64xf32>
    %slice3A_323 = vector.extract_strided_slice %sub3A_61 {offsets = [1024, 0], sizes = [256, 64], strides = [1, 1]} : vector<4096x64xf32> to vector<256x64xf32>
    %add3A_324 = arith.addf %add3A_322, %slice3A_323 : vector<256x64xf32>
    %slice3A_325 = vector.extract_strided_slice %sub3A_61 {offsets = [1280, 0], sizes = [256, 64], strides = [1, 1]} : vector<4096x64xf32> to vector<256x64xf32>
    %add3A_326 = arith.addf %add3A_324, %slice3A_325 : vector<256x64xf32>
    %slice3A_327 = vector.extract_strided_slice %sub3A_61 {offsets = [1536, 0], sizes = [256, 64], strides = [1, 1]} : vector<4096x64xf32> to vector<256x64xf32>
    %add3A_328 = arith.addf %add3A_326, %slice3A_327 : vector<256x64xf32>
    %slice3A_329 = vector.extract_strided_slice %sub3A_61 {offsets = [1792, 0], sizes = [256, 64], strides = [1, 1]} : vector<4096x64xf32> to vector<256x64xf32>
    %add3A_330 = arith.addf %add3A_328, %slice3A_329 : vector<256x64xf32>
    %slice3A_331 = vector.extract_strided_slice %sub3A_61 {offsets = [2048, 0], sizes = [256, 64], strides = [1, 1]} : vector<4096x64xf32> to vector<256x64xf32>
    %add3A_332 = arith.addf %add3A_330, %slice3A_331 : vector<256x64xf32>
    %slice3A_333 = vector.extract_strided_slice %sub3A_61 {offsets = [2304, 0], sizes = [256, 64], strides = [1, 1]} : vector<4096x64xf32> to vector<256x64xf32>
    %add3A_334 = arith.addf %add3A_332, %slice3A_333 : vector<256x64xf32>
    %slice3A_335 = vector.extract_strided_slice %sub3A_61 {offsets = [2560, 0], sizes = [256, 64], strides = [1, 1]} : vector<4096x64xf32> to vector<256x64xf32>
    %add3A_336 = arith.addf %add3A_334, %slice3A_335 : vector<256x64xf32>
    %slice3A_337 = vector.extract_strided_slice %sub3A_61 {offsets = [2816, 0], sizes = [256, 64], strides = [1, 1]} : vector<4096x64xf32> to vector<256x64xf32>
    %add3A_338 = arith.addf %add3A_336, %slice3A_337 : vector<256x64xf32>
    %slice3A_339 = vector.extract_strided_slice %sub3A_61 {offsets = [3072, 0], sizes = [256, 64], strides = [1, 1]} : vector<4096x64xf32> to vector<256x64xf32>
    %add3A_340 = arith.addf %add3A_338, %slice3A_339 : vector<256x64xf32>
    %slice3A_341 = vector.extract_strided_slice %sub3A_61 {offsets = [3328, 0], sizes = [256, 64], strides = [1, 1]} : vector<4096x64xf32> to vector<256x64xf32>
    %add3A_342 = arith.addf %add3A_340, %slice3A_341 : vector<256x64xf32>
    %slice3A_343 = vector.extract_strided_slice %sub3A_61 {offsets = [3584, 0], sizes = [256, 64], strides = [1, 1]} : vector<4096x64xf32> to vector<256x64xf32>
    %add3A_344 = arith.addf %add3A_342, %slice3A_343 : vector<256x64xf32>
    %slice3A_345 = vector.extract_strided_slice %sub3A_61 {offsets = [3840, 0], sizes = [256, 64], strides = [1, 1]} : vector<4096x64xf32> to vector<256x64xf32>
    %add3A_346 = arith.addf %add3A_344, %slice3A_345 : vector<256x64xf32>
    %slice3A_347 = vector.extract_strided_slice %sub3A_64 {offsets = [0, 0], sizes = [256, 64], strides = [1, 1]} : vector<4096x64xf32> to vector<256x64xf32>
    %slice3A_348 = vector.extract_strided_slice %sub3A_64 {offsets = [256, 0], sizes = [256, 64], strides = [1, 1]} : vector<4096x64xf32> to vector<256x64xf32>
    %add3A_349 = arith.addf %slice3A_347, %slice3A_348 : vector<256x64xf32>
    %slice3A_350 = vector.extract_strided_slice %sub3A_64 {offsets = [512, 0], sizes = [256, 64], strides = [1, 1]} : vector<4096x64xf32> to vector<256x64xf32>
    %add3A_351 = arith.addf %add3A_349, %slice3A_350 : vector<256x64xf32>
    %slice3A_352 = vector.extract_strided_slice %sub3A_64 {offsets = [768, 0], sizes = [256, 64], strides = [1, 1]} : vector<4096x64xf32> to vector<256x64xf32>
    %add3A_353 = arith.addf %add3A_351, %slice3A_352 : vector<256x64xf32>
    %slice3A_354 = vector.extract_strided_slice %sub3A_64 {offsets = [1024, 0], sizes = [256, 64], strides = [1, 1]} : vector<4096x64xf32> to vector<256x64xf32>
    %add3A_355 = arith.addf %add3A_353, %slice3A_354 : vector<256x64xf32>
    %slice3A_356 = vector.extract_strided_slice %sub3A_64 {offsets = [1280, 0], sizes = [256, 64], strides = [1, 1]} : vector<4096x64xf32> to vector<256x64xf32>
    %add3A_357 = arith.addf %add3A_355, %slice3A_356 : vector<256x64xf32>
    %slice3A_358 = vector.extract_strided_slice %sub3A_64 {offsets = [1536, 0], sizes = [256, 64], strides = [1, 1]} : vector<4096x64xf32> to vector<256x64xf32>
    %add3A_359 = arith.addf %add3A_357, %slice3A_358 : vector<256x64xf32>
    %slice3A_360 = vector.extract_strided_slice %sub3A_64 {offsets = [1792, 0], sizes = [256, 64], strides = [1, 1]} : vector<4096x64xf32> to vector<256x64xf32>
    %add3A_361 = arith.addf %add3A_359, %slice3A_360 : vector<256x64xf32>
    %slice3A_362 = vector.extract_strided_slice %sub3A_64 {offsets = [2048, 0], sizes = [256, 64], strides = [1, 1]} : vector<4096x64xf32> to vector<256x64xf32>
    %add3A_363 = arith.addf %add3A_361, %slice3A_362 : vector<256x64xf32>
    %slice3A_364 = vector.extract_strided_slice %sub3A_64 {offsets = [2304, 0], sizes = [256, 64], strides = [1, 1]} : vector<4096x64xf32> to vector<256x64xf32>
    %add3A_365 = arith.addf %add3A_363, %slice3A_364 : vector<256x64xf32>
    %slice3A_366 = vector.extract_strided_slice %sub3A_64 {offsets = [2560, 0], sizes = [256, 64], strides = [1, 1]} : vector<4096x64xf32> to vector<256x64xf32>
    %add3A_367 = arith.addf %add3A_365, %slice3A_366 : vector<256x64xf32>
    %slice3A_368 = vector.extract_strided_slice %sub3A_64 {offsets = [2816, 0], sizes = [256, 64], strides = [1, 1]} : vector<4096x64xf32> to vector<256x64xf32>
    %add3A_369 = arith.addf %add3A_367, %slice3A_368 : vector<256x64xf32>
    %slice3A_370 = vector.extract_strided_slice %sub3A_64 {offsets = [3072, 0], sizes = [256, 64], strides = [1, 1]} : vector<4096x64xf32> to vector<256x64xf32>
    %add3A_371 = arith.addf %add3A_369, %slice3A_370 : vector<256x64xf32>
    %slice3A_372 = vector.extract_strided_slice %sub3A_64 {offsets = [3328, 0], sizes = [256, 64], strides = [1, 1]} : vector<4096x64xf32> to vector<256x64xf32>
    %add3A_373 = arith.addf %add3A_371, %slice3A_372 : vector<256x64xf32>
    %slice3A_374 = vector.extract_strided_slice %sub3A_64 {offsets = [3584, 0], sizes = [256, 64], strides = [1, 1]} : vector<4096x64xf32> to vector<256x64xf32>
    %add3A_375 = arith.addf %add3A_373, %slice3A_374 : vector<256x64xf32>
    %slice3A_376 = vector.extract_strided_slice %sub3A_64 {offsets = [3840, 0], sizes = [256, 64], strides = [1, 1]} : vector<4096x64xf32> to vector<256x64xf32>
    %add3A_377 = arith.addf %add3A_375, %slice3A_376 : vector<256x64xf32>
    %slice3A_378 = vector.extract_strided_slice %sub3A_67 {offsets = [0, 0], sizes = [256, 64], strides = [1, 1]} : vector<4096x64xf32> to vector<256x64xf32>
    %slice3A_379 = vector.extract_strided_slice %sub3A_67 {offsets = [256, 0], sizes = [256, 64], strides = [1, 1]} : vector<4096x64xf32> to vector<256x64xf32>
    %add3A_380 = arith.addf %slice3A_378, %slice3A_379 : vector<256x64xf32>
    %slice3A_381 = vector.extract_strided_slice %sub3A_67 {offsets = [512, 0], sizes = [256, 64], strides = [1, 1]} : vector<4096x64xf32> to vector<256x64xf32>
    %add3A_382 = arith.addf %add3A_380, %slice3A_381 : vector<256x64xf32>
    %slice3A_383 = vector.extract_strided_slice %sub3A_67 {offsets = [768, 0], sizes = [256, 64], strides = [1, 1]} : vector<4096x64xf32> to vector<256x64xf32>
    %add3A_384 = arith.addf %add3A_382, %slice3A_383 : vector<256x64xf32>
    %slice3A_385 = vector.extract_strided_slice %sub3A_67 {offsets = [1024, 0], sizes = [256, 64], strides = [1, 1]} : vector<4096x64xf32> to vector<256x64xf32>
    %add3A_386 = arith.addf %add3A_384, %slice3A_385 : vector<256x64xf32>
    %slice3A_387 = vector.extract_strided_slice %sub3A_67 {offsets = [1280, 0], sizes = [256, 64], strides = [1, 1]} : vector<4096x64xf32> to vector<256x64xf32>
    %add3A_388 = arith.addf %add3A_386, %slice3A_387 : vector<256x64xf32>
    %slice3A_389 = vector.extract_strided_slice %sub3A_67 {offsets = [1536, 0], sizes = [256, 64], strides = [1, 1]} : vector<4096x64xf32> to vector<256x64xf32>
    %add3A_390 = arith.addf %add3A_388, %slice3A_389 : vector<256x64xf32>
    %slice3A_391 = vector.extract_strided_slice %sub3A_67 {offsets = [1792, 0], sizes = [256, 64], strides = [1, 1]} : vector<4096x64xf32> to vector<256x64xf32>
    %add3A_392 = arith.addf %add3A_390, %slice3A_391 : vector<256x64xf32>
    %slice3A_393 = vector.extract_strided_slice %sub3A_67 {offsets = [2048, 0], sizes = [256, 64], strides = [1, 1]} : vector<4096x64xf32> to vector<256x64xf32>
    %add3A_394 = arith.addf %add3A_392, %slice3A_393 : vector<256x64xf32>
    %slice3A_395 = vector.extract_strided_slice %sub3A_67 {offsets = [2304, 0], sizes = [256, 64], strides = [1, 1]} : vector<4096x64xf32> to vector<256x64xf32>
    %add3A_396 = arith.addf %add3A_394, %slice3A_395 : vector<256x64xf32>
    %slice3A_397 = vector.extract_strided_slice %sub3A_67 {offsets = [2560, 0], sizes = [256, 64], strides = [1, 1]} : vector<4096x64xf32> to vector<256x64xf32>
    %add3A_398 = arith.addf %add3A_396, %slice3A_397 : vector<256x64xf32>
    %slice3A_399 = vector.extract_strided_slice %sub3A_67 {offsets = [2816, 0], sizes = [256, 64], strides = [1, 1]} : vector<4096x64xf32> to vector<256x64xf32>
    %add3A_400 = arith.addf %add3A_398, %slice3A_399 : vector<256x64xf32>
    %slice3A_401 = vector.extract_strided_slice %sub3A_67 {offsets = [3072, 0], sizes = [256, 64], strides = [1, 1]} : vector<4096x64xf32> to vector<256x64xf32>
    %add3A_402 = arith.addf %add3A_400, %slice3A_401 : vector<256x64xf32>
    %slice3A_403 = vector.extract_strided_slice %sub3A_67 {offsets = [3328, 0], sizes = [256, 64], strides = [1, 1]} : vector<4096x64xf32> to vector<256x64xf32>
    %add3A_404 = arith.addf %add3A_402, %slice3A_403 : vector<256x64xf32>
    %slice3A_405 = vector.extract_strided_slice %sub3A_67 {offsets = [3584, 0], sizes = [256, 64], strides = [1, 1]} : vector<4096x64xf32> to vector<256x64xf32>
    %add3A_406 = arith.addf %add3A_404, %slice3A_405 : vector<256x64xf32>
    %slice3A_407 = vector.extract_strided_slice %sub3A_67 {offsets = [3840, 0], sizes = [256, 64], strides = [1, 1]} : vector<4096x64xf32> to vector<256x64xf32>
    %add3A_408 = arith.addf %add3A_406, %slice3A_407 : vector<256x64xf32>
    %get3A_409 = arith.constant 0 : index
    %get3A_410 = arith.constant 0 : index
    %get3A_411 = vector.load %arg7[%get3A_409, %get3A_410] : memref<128x64xf32, #tpu.memory_space<vmem>>, vector<128x64xf32>
    %get3A_412 = arith.constant 0 : index
    %get3A_413 = arith.constant 0 : index
    %get3A_414 = vector.load %arg8[%get3A_412, %get3A_413] : memref<192x64xf32, #tpu.memory_space<vmem>>, vector<192x64xf32>
    %concatenate3A = tpu.concatenate %add3A_98, %add3A_129 in 1 : vector<256x64xf32>, vector<256x64xf32> -> vector<256x128xf32>
    %dot_general3A_415 = arith.constant dense<0.000000e+00> : vector<256x64xf32>
    %dot_general3A_416 = tpu.matmul %concatenate3A, %get3A_411, %dot_general3A_415 {dimension_numbers = #tpu.dot_dimension_numbers<[1], [0], [0], [1], [0, 0, 1, 1], [], []>, transpose_lhs_hint = false} : vector<256x128xf32>, vector<128x64xf32>, vector<256x64xf32> -> vector<256x64xf32>
    %concatenate3A_417 = tpu.concatenate %add3A_160, %add3A_253, %add3A_346 in 1 : vector<256x64xf32>, vector<256x64xf32>, vector<256x64xf32> -> vector<256x192xf32>
    %dot_general3A_418 = arith.constant dense<0.000000e+00> : vector<256x64xf32>
    %dot_general3A_419 = tpu.matmul %concatenate3A_417, %get3A_414, %dot_general3A_418 {dimension_numbers = #tpu.dot_dimension_numbers<[1], [0], [0], [1], [0, 0, 1, 1], [], []>, transpose_lhs_hint = false} : vector<256x192xf32>, vector<192x64xf32>, vector<256x64xf32> -> vector<256x64xf32>
    %concatenate3A_420 = tpu.concatenate %add3A_191, %add3A_284, %add3A_377 in 1 : vector<256x64xf32>, vector<256x64xf32>, vector<256x64xf32> -> vector<256x192xf32>
    %dot_general3A_421 = arith.constant dense<0.000000e+00> : vector<256x64xf32>
    %dot_general3A_422 = tpu.matmul %concatenate3A_420, %get3A_414, %dot_general3A_421 {dimension_numbers = #tpu.dot_dimension_numbers<[1], [0], [0], [1], [0, 0, 1, 1], [], []>, transpose_lhs_hint = false} : vector<256x192xf32>, vector<192x64xf32>, vector<256x64xf32> -> vector<256x64xf32>
    %concatenate3A_423 = tpu.concatenate %add3A_222, %add3A_315, %add3A_408 in 1 : vector<256x64xf32>, vector<256x64xf32>, vector<256x64xf32> -> vector<256x192xf32>
    %dot_general3A_424 = arith.constant dense<0.000000e+00> : vector<256x64xf32>
    %dot_general3A_425 = tpu.matmul %concatenate3A_423, %get3A_414, %dot_general3A_424 {dimension_numbers = #tpu.dot_dimension_numbers<[1], [0], [0], [1], [0, 0, 1, 1], [], []>, transpose_lhs_hint = false} : vector<256x192xf32>, vector<192x64xf32>, vector<256x64xf32> -> vector<256x64xf32>
    %mul3A_426 = arith.mulf %dot_general3A_419, %dot_general3A_419 : vector<256x64xf32>
    %mul3A_427 = arith.mulf %dot_general3A_422, %dot_general3A_422 : vector<256x64xf32>
    %add3A_428 = arith.addf %mul3A_426, %mul3A_427 : vector<256x64xf32>
    %mul3A_429 = arith.mulf %dot_general3A_425, %dot_general3A_425 : vector<256x64xf32>
    %add3A_430 = arith.addf %add3A_428, %mul3A_429 : vector<256x64xf32>
    %add3A_431 = arith.constant 9.99999996E-13 : f32
    %add3A_432 = vector.broadcast %add3A_431 : f32 to vector<256x64xf32>
    %add3A_433 = arith.addf %add3A_430, %add3A_432 : vector<256x64xf32>
    %sqrt3A = math.sqrt %add3A_433 : vector<256x64xf32>
    %max3A_434 = arith.constant 0.000000e+00 : f32
    %max3A_435 = vector.broadcast %max3A_434 : f32 to vector<256x64xf32>
    %max3A_436 = arith.maximumf %dot_general3A_416, %max3A_435 : vector<256x64xf32>
    %abs3A_437 = math.absf %dot_general3A_416 : vector<256x64xf32>
    %neg3A_438 = arith.constant 0.000000e+00 : f32
    %neg3A_439 = vector.broadcast %neg3A_438 : f32 to vector<256x64xf32>
    %neg3A_440 = arith.subf %neg3A_439, %abs3A_437 : vector<256x64xf32>
    %exp3A_441 = math.exp %neg3A_440 : vector<256x64xf32>
    %add3A_442 = arith.constant 1.000000e+00 : f32
    %add3A_443 = vector.broadcast %add3A_442 : f32 to vector<256x64xf32>
    %add3A_444 = arith.addf %add3A_443, %exp3A_441 : vector<256x64xf32>
    %log3A_445 = math.log %add3A_444 : vector<256x64xf32>
    %add3A_446 = arith.addf %max3A_436, %log3A_445 : vector<256x64xf32>
    %sub3A_447 = arith.constant 0.693147182 : f32
    %sub3A_448 = vector.broadcast %sub3A_447 : f32 to vector<256x64xf32>
    %sub3A_449 = arith.subf %add3A_446, %sub3A_448 : vector<256x64xf32>
    %max3A_450 = arith.constant 0.000000e+00 : f32
    %max3A_451 = vector.broadcast %max3A_450 : f32 to vector<256x64xf32>
    %max3A_452 = arith.maximumf %sqrt3A, %max3A_451 : vector<256x64xf32>
    %abs3A_453 = math.absf %sqrt3A : vector<256x64xf32>
    %neg3A_454 = arith.constant 0.000000e+00 : f32
    %neg3A_455 = vector.broadcast %neg3A_454 : f32 to vector<256x64xf32>
    %neg3A_456 = arith.subf %neg3A_455, %abs3A_453 : vector<256x64xf32>
    %exp3A_457 = math.exp %neg3A_456 : vector<256x64xf32>
    %add3A_458 = arith.constant 1.000000e+00 : f32
    %add3A_459 = vector.broadcast %add3A_458 : f32 to vector<256x64xf32>
    %add3A_460 = arith.addf %add3A_459, %exp3A_457 : vector<256x64xf32>
    %log3A_461 = math.log %add3A_460 : vector<256x64xf32>
    %add3A_462 = arith.addf %max3A_452, %log3A_461 : vector<256x64xf32>
    %sub3A_463 = arith.constant 0.693147182 : f32
    %sub3A_464 = vector.broadcast %sub3A_463 : f32 to vector<256x64xf32>
    %sub3A_465 = arith.subf %add3A_462, %sub3A_464 : vector<256x64xf32>
    %get3A_466 = arith.constant 0 : index
    %get3A_467 = arith.constant 0 : index
    %get3A_468 = vector.load %arg9[%get3A_466, %get3A_467] : memref<64x64xf32, #tpu.memory_space<vmem>>, vector<64x64xf32>
    %get3A_469 = arith.constant 0 : index
    %get3A_470 = arith.constant 0 : index
    %get3A_471 = vector.load %arg10[%get3A_469, %get3A_470] : memref<64x64xf32, #tpu.memory_space<vmem>>, vector<64x64xf32>
    %mul3A_472 = arith.mulf %dot_general3A_416, %sub3A_449 : vector<256x64xf32>
    %dot_general3A_473 = arith.constant dense<0.000000e+00> : vector<256x64xf32>
    %dot_general3A_474 = tpu.matmul %mul3A_472, %get3A_468, %dot_general3A_473 {dimension_numbers = #tpu.dot_dimension_numbers<[1], [0], [0], [1], [0, 0, 1, 1], [], []>, transpose_lhs_hint = false} : vector<256x64xf32>, vector<64x64xf32>, vector<256x64xf32> -> vector<256x64xf32>
    %mul3A_475 = arith.mulf %dot_general3A_419, %sub3A_465 : vector<256x64xf32>
    %dot_general3A_476 = arith.constant dense<0.000000e+00> : vector<256x64xf32>
    %dot_general3A_477 = tpu.matmul %mul3A_475, %get3A_471, %dot_general3A_476 {dimension_numbers = #tpu.dot_dimension_numbers<[1], [0], [0], [1], [0, 0, 1, 1], [], []>, transpose_lhs_hint = false} : vector<256x64xf32>, vector<64x64xf32>, vector<256x64xf32> -> vector<256x64xf32>
    %mul3A_478 = arith.mulf %dot_general3A_422, %sub3A_465 : vector<256x64xf32>
    %dot_general3A_479 = arith.constant dense<0.000000e+00> : vector<256x64xf32>
    %dot_general3A_480 = tpu.matmul %mul3A_478, %get3A_471, %dot_general3A_479 {dimension_numbers = #tpu.dot_dimension_numbers<[1], [0], [0], [1], [0, 0, 1, 1], [], []>, transpose_lhs_hint = false} : vector<256x64xf32>, vector<64x64xf32>, vector<256x64xf32> -> vector<256x64xf32>
    %mul3A_481 = arith.mulf %dot_general3A_425, %sub3A_465 : vector<256x64xf32>
    %dot_general3A_482 = arith.constant dense<0.000000e+00> : vector<256x64xf32>
    %dot_general3A_483 = tpu.matmul %mul3A_481, %get3A_471, %dot_general3A_482 {dimension_numbers = #tpu.dot_dimension_numbers<[1], [0], [0], [1], [0, 0, 1, 1], [], []>, transpose_lhs_hint = false} : vector<256x64xf32>, vector<64x64xf32>, vector<256x64xf32> -> vector<256x64xf32>
    %get3A_484 = arith.constant 0 : index
    %get3A_485 = arith.constant 0 : index
    %get3A_486 = vector.load %arg4[%get3A_484, %get3A_485] : memref<256x256xf32, #tpu.memory_space<vmem>>, vector<256x256xf32>
    %concatenate3A_487 = tpu.concatenate %dot_general3A_474, %dot_general3A_477, %dot_general3A_480, %dot_general3A_483 in 1 : vector<256x64xf32>, vector<256x64xf32>, vector<256x64xf32>, vector<256x64xf32> -> vector<256x256xf32>
    %add3A_488 = arith.addf %get3A_486, %concatenate3A_487 : vector<256x256xf32>
    %swap3A = arith.constant 0 : index
    %swap3A_489 = arith.constant 0 : index
    %swap3A_490 = vector.load %arg11[%swap3A, %swap3A_489] : memref<256x256xf32, #tpu.memory_space<vmem>>, vector<256x256xf32>
    tpu.vector_store %arg11[%swap3A, %swap3A_489], %add3A_488 {strides = array<i32>} : memref<256x256xf32, #tpu.memory_space<vmem>>, vector<256x256xf32>,
    return
  }
  func.func @transform_0(%arg0: i32) -> (i32, i32, i32) {
    %c0_i32 = arith.constant 0 : i32
    %c0_i32_0 = arith.constant 0 : i32
    %c0_i32_1 = arith.constant 0 : i32
    return %c0_i32, %arg0, %c0_i32_0 : i32, i32, i32
  }
  func.func @transform_1(%arg0: i32) -> (i32, i32, i32) {
    %c0_i32 = arith.constant 0 : i32
    %c0_i32_0 = arith.constant 0 : i32
    %c0_i32_1 = arith.constant 0 : i32
    return %c0_i32, %arg0, %c0_i32_0 : i32, i32, i32
  }
  func.func @transform_2(%arg0: i32) -> (i32, i32, i32) {
    %c0_i32 = arith.constant 0 : i32
    %c0_i32_0 = arith.constant 0 : i32
    %c0_i32_1 = arith.constant 0 : i32
    return %c0_i32, %arg0, %c0_i32_0 : i32, i32, i32
  }
  func.func @transform_3(%arg0: i32) -> (i32, i32) {
    %c0_i32 = arith.constant 0 : i32
    %c0_i32_0 = arith.constant 0 : i32
    return %arg0, %c0_i32 : i32, i32
  }
  func.func @transform_4(%arg0: i32) -> (i32, i32) {
    %c0_i32 = arith.constant 0 : i32
    %c0_i32_0 = arith.constant 0 : i32
    %c0_i32_1 = arith.constant 0 : i32
    return %c0_i32, %c0_i32_0 : i32, i32
  }
  func.func @transform_5(%arg0: i32) -> (i32, i32) {
    %c0_i32 = arith.constant 0 : i32
    %c0_i32_0 = arith.constant 0 : i32
    %c0_i32_1 = arith.constant 0 : i32
    return %c0_i32, %c0_i32_0 : i32, i32
  }
  func.func @transform_6(%arg0: i32) -> (i32, i32) {
    %c0_i32 = arith.constant 0 : i32
    %c0_i32_0 = arith.constant 0 : i32
    %c0_i32_1 = arith.constant 0 : i32
    return %c0_i32, %c0_i32_0 : i32, i32
  }
  func.func @transform_7(%arg0: i32) -> (i32, i32) {
    %c0_i32 = arith.constant 0 : i32
    %c0_i32_0 = arith.constant 0 : i32
    %c0_i32_1 = arith.constant 0 : i32
    return %c0_i32, %c0_i32_0 : i32, i32
  }
  func.func @transform_8(%arg0: i32) -> (i32, i32) {
    %c0_i32 = arith.constant 0 : i32
    %c0_i32_0 = arith.constant 0 : i32
    %c0_i32_1 = arith.constant 0 : i32
    return %c0_i32, %c0_i32_0 : i32, i32
  }
  func.func @transform_9(%arg0: i32) -> (i32, i32) {
    %c0_i32 = arith.constant 0 : i32
    %c0_i32_0 = arith.constant 0 : i32
    %c0_i32_1 = arith.constant 0 : i32
    return %c0_i32, %c0_i32_0 : i32, i32
  }
  func.func @transform_10(%arg0: i32) -> (i32, i32) {
    %c0_i32 = arith.constant 0 : i32
    %c0_i32_0 = arith.constant 0 : i32
    return %arg0, %c0_i32 : i32, i32
  }
}

</mosaic_0001>

<sc_bundles>
// kernel: kernel.5.cloned.1.call-start
scs
__scs_entry_jumppad:
0x0: {  	(pc) =	sbr.rel $0x88, $3  }
0x1: {  	(tag) =	ssettag $0x0;
	lr =	simm.s32 $0x1  }
0x2: {  	[smem:$0x3F95] =	sst lr;
	_ =	strace $0xD0000000  }
0x3: {  	_ = 	snop  }
0x4: {  	_ = 	snop  }
0x5: {  	_ = 	snop  }
0x6: {  	_ = 	snop  }
0x7: {  	_ = 	snop  }
__scs_overlays_trampoline_lowered:
0x8: {  	[smem:$0x3FA4] =	sst s0  }
0x9: {  	[smem:$0x3FA5] =	sst s1  }
0xa: {  	[smem:$0x3FA6] =	sst s2  }
0xb: {  	[smem:$0x3FA7] =	sst s3  }
0xc: {  	[smem:$0x3FA8] =	sst s4  }
0xd: {  	[smem:$0x3FA9] =	sst s5  }
0xe: {  	[smem:$0x3FAA] =	sst s6  }
0xf: {  	[smem:$0x3FAB] =	sst s7  }
0x10: {  	[smem:$0x3FAC] =	sst s8  }
0x11: {  	[smem:$0x3FAD] =	sst s9;
	s0 =	simm.s32 @!p0 $0x0  }
0x12: {  	s1 =	sld [smem:$0x3F93];
	s0 =	simm.s32 @p0 $0x1  }
0x13: {  	[smem:$0x3FAE] =	sst s0;
	s0 =	simm.s32 @!p1 $0x0  }
0x14: {  	s2 =	sld [smem:$0x3F92];
	s0 =	simm.s32 @p1 $0x1  }
0x15: {  	[smem:$0x3FAF] =	sst s0;
	s0 =	simm.s32 @!p2 $0x0  }
0x16: {  	s3 =	sld [smem:$0x3FDB];
	s0 =	simm.s32 @p2 $0x1  }
0x17: {  	s4 =	simm.s32 $0x1BF5;
	[smem:$0x3FB1] =	sst s0  }
0x18: {  	s0 =	sld [smem:$0x3F94];
	_ =	swait.ge [sflag:s4], $0x0  }
0x19: {  	s7 =	sld [smem:$0x3F95]  }
0x1a: {  	s8 =	sadd.s32 $0xFFFFE003, lr  }
0x1b: {  	s9 =	sadd.s32 $0xFFFFFEF7, lr;
	s5 =	simm.s32 $0xFFFFFFFF;
	p2 =	slt.u32 s8, $0xFFFFF086  }
0x1c: {  	p1 =	slt.u32 s9, $0xF7A;
	s5 =	simm.s32 @!p2 $0x0  }
0x1d: {  	s5 =	simm.s32 @p1 $0x1;
	p0 =	seq.s32 s7, s2  }
0x1e: {  	s7 =	smul.u32 @!p0 $0xF7A, s2;
	p2 =	seq.s32 @!p0 s5, $0x0  }
0x1f: {  	s9 =	smul.u32 $0xF7A, s1;
	s8 =	simm.s32 @!p0 $0x1BF5;
	p2 =	por !p2, p0  }
0x20: {  	[sflag:s8] =	ssyncset.s32 @!p0 $0xFFFFF086;
	s6 =	sadd.s32 @!p0 s3, s7;
	s7 =	simm.s32 @!p0 $0x108  }
0x21: {  	s3 =	sadd.s32 s3, s9;
	s6 =	sadd.s32 @!p0 $0x88, s6;
	s7 =	simm.s32 @p2 $0x1082  }
0x22: {  	[simem:s7], [sflag:s8] =	dma.local @!p0 [hbm:s6], $0xF7A  }
0x23: {  	s9 =	sor.u32 $0xD0000000, s2;
	s6 =	simm.s32 $0x108;
	_ =	swait.ge @!p0 [sflag:s8], $0x0  }
0x24: {  	s3 =	sadd.s32 $0x88, s3;
	s6 =	simm.s32 @!p1 $0x1082;
	[sflag:s4] =	ssyncset.s32 $0xFFFFF086  }
0x25: {  	[simem:s6], [sflag:s4] =	dma.local [hbm:s3], $0xF7A  }
0x26: {  	[smem:$0x3F95] =	sst s1;
	(tag) =	ssettag s2;
	_ =	strace s9  }
0x27: {  	s1 =	sld [smem:$0x3FA5]  }
0x28: {  	s2 =	sld [smem:$0x3FA6]  }
0x29: {  	s4 =	sld [smem:$0x3FA8]  }
0x2a: {  	p0 =	seq.s32 s5, $0x0;
	s5 =	sld [smem:$0x3FA9]  }
0x2b: {  	s6 =	sld [smem:$0x3FAA]  }
0x2c: {  	s7 =	sld [smem:$0x3FAB]  }
0x2d: {  	s3 =	simm.s32 $0x108;
	s8 =	sld [smem:$0x3FAC]  }
0x2e: {  	s3 =	simm.s32 @!p0 $0x1082;
	s9 =	sld [smem:$0x3FAD]  }
0x2f: {  	lr =	sadd.s32 s0, s3;
	s0 =	sld [smem:$0x3FA4]  }
0x30: {  	s3 =	sld [smem:$0x3FA7]  }
0x31: {  	[smem:$0x3FB0] =	sst s10  }
0x32: {  	s10 =	sld [smem:$0x3FAE];
	_ =	sdelay $0x3  }
0x33: {  	p0 =	seq.s32 s10, $0x1;
	s10 =	sld [smem:$0x3FB0];
	_ =	sdelay $0x3  }
0x34: {  	[smem:$0x3FB0] =	sst s10  }
0x35: {  	s10 =	sld [smem:$0x3FAF];
	_ =	sdelay $0x3  }
0x36: {  	p1 =	seq.s32 s10, $0x1;
	s10 =	sld [smem:$0x3FB0];
	_ =	sdelay $0x3  }
0x37: {  	[smem:$0x3FB0] =	sst s10  }
0x38: {  	s10 =	sld [smem:$0x3FB1]  }
0x39: {  	_ = 	snop;
	(pc) =	sbr.ind lr, $3  }
0x3a: {  	_ = 	snop  }
0x3b: {  	_ = 	snop  }
0x3c: {  	p2 =	seq.s32 s10, $0x1;
	s10 =	sld [smem:$0x3FB0]  }
0x3d: {  	_ =	shalt  }
0x3e: {  	_ =	shalt  }
0x3f: {  	_ =	shalt  }
0x40: {  	_ =	shalt  }
0x41: {  	_ =	shalt  }
0x42: {  	_ =	shalt  }
0x43: {  	_ =	shalt  }
0x44: {  	_ =	shalt  }
0x45: {  	_ =	shalt  }
0x46: {  	_ =	shalt  }
0x47: {  	_ =	shalt  }
0x48: {  	_ =	shalt  }
0x49: {  	_ =	shalt  }
0x4a: {  	_ =	shalt  }
0x4b: {  	_ =	shalt  }
0x4c: {  	_ =	shalt  }
0x4d: {  	_ =	shalt  }
0x4e: {  	_ =	shalt  }
0x4f: {  	_ =	shalt  }
0x50: {  	_ =	shalt  }
0x51: {  	_ =	shalt  }
0x52: {  	_ =	shalt  }
0x53: {  	_ =	shalt  }
0x54: {  	_ =	shalt  }
0x55: {  	_ =	shalt  }
0x56: {  	_ =	shalt  }
0x57: {  	_ =	shalt  }
0x58: {  	_ =	shalt  }
0x59: {  	_ =	shalt  }
0x5a: {  	_ =	shalt  }
0x5b: {  	_ =	shalt  }
0x5c: {  	_ =	shalt  }
0x5d: {  	_ =	shalt  }
0x5e: {  	_ =	shalt  }
0x5f: {  	_ =	shalt  }
0x60: {  	_ =	shalt  }
0x61: {  	_ =	shalt  }
0x62: {  	_ =	shalt  }
0x63: {  	_ =	shalt  }
0x64: {  	_ =	shalt  }
0x65: {  	_ =	shalt  }
0x66: {  	_ =	shalt  }
0x67: {  	_ =	shalt  }
0x68: {  	_ =	shalt  }
0x69: {  	_ =	shalt  }
0x6a: {  	_ =	shalt  }
0x6b: {  	_ =	shalt  }
0x6c: {  	_ =	shalt  }
0x6d: {  	_ =	shalt  }
0x6e: {  	_ =	shalt  }
0x6f: {  	_ =	shalt  }
0x70: {  	_ =	shalt  }
0x71: {  	_ =	shalt  }
0x72: {  	_ =	shalt  }
0x73: {  	_ =	shalt  }
0x74: {  	_ =	shalt  }
0x75: {  	_ =	shalt  }
0x76: {  	_ =	shalt  }
0x77: {  	_ =	shalt  }
0x78: {  	_ =	shalt  }
0x79: {  	_ =	shalt  }
0x7a: {  	_ =	shalt  }
0x7b: {  	_ =	shalt  }
0x7c: {  	_ =	shalt  }
0x7d: {  	_ =	shalt  }
0x7e: {  	_ =	shalt  }
0x7f: {  	_ =	shalt  }
0x80: {  	_ =	shalt  }
0x81: {  	_ =	shalt  }
0x82: {  	_ =	shalt  }
0x83: {  	_ =	shalt  }
0x84: {  	_ =	shalt  }
0x85: {  	_ =	shalt  }
0x86: {  	_ =	shalt  }
0x87: {  	_ =	shalt  }
.Lfunc_end0:
.L_simem_size_0:
called_computation_lowered:
.L_overlay_start_0:
0x88: {  	s2 =	sld [smem:$0x3FD9]  }
0x89: {  	s3 =	sld [smem:$0x3FFE];
	_ =	sdelay $0x1  }
0x8a: {  	s1 =	srdreg.scid  }
0x8b: {  	s0 =	sand.u32 $0x1, s1  }
0x8c: {  	s17 =	sshll.u32 s0, $0xA;
	s2 =	sadd.s32 s3, s2  }
0x8d: {  	s2 =	sadd.s32 s2, s17  }
0x8e: {  	[smem:$0x3FBC] =	sst s2  }
0x8f: {  	_ = 	snop  }
0x90: {  	s2 =	sld [smem:$0x3FD0];
	(tm) =	ssettm $0x1  }
0x91: {  	s18 =	sld [smem:$0x3FFB];
	_ =	sdelay $0x3  }
0x92: {  	_ =	strace s18  }
0x93: {  	s3 =	sld [smem:$0x3FFC];
	_ =	sdelay $0x3  }
0x94: {  	_ =	strace s3  }
0x95: {  	s3 =	sld [smem:$0x3FFD];
	_ =	sdelay $0x3  }
0x96: {  	_ =	strace s3  }
0x97: {  	_ =	strace $0x8FFFFFFF  }
0x98: {  	s19 =	sld [smem:$0x3FDB];
	_ =	sdelay $0x1  }
0x99: {  	s4 =	simm.s32 $_scs_section_size  }
0x9a: {  	s5 =	simm.s32 $_size__tile_overlayer_lowered;
	s6 =	simm.s32 $_tile_overlayer_lowered  }
0x9b: {  	s22 =	simm.s32 $0x1BFF;
	s21 =	sshll.u32 s6, $0x1;
	s3 =	sadd.s32 s4, s19  }
0x9c: {  	s7 =	simm.s32 $0x0;
	s20 =	sshll.u32 s5, $0x1;
	s5 =	sadd.s32 s21, s3  }
0x9d: {  	[timem:s7], [sflag:s22] =	dma.local [hbm:s5], s20  }
0x9e: {  	_ =	swait.ge [sflag:s22], s20  }
0x9f: {  	s4 =	ssub.s32 $0x0, s20;
	[sflag:s22] =	ssyncset.done $0x0  }
0xa0: {  	[sflag:s22] =	ssyncadd.s32 s4;
	_ =	sdelay $0x1  }
0xa1: {  	s23 =	simm.s32 $0x1B8B  }
0xa2: {  	_ =	swait.ge [sflag:s23], $0x1  }
0xa3: {  	[sflag:s23] =	ssyncset.done $0x0  }
0xa4: {  	s25 =	simm.s32 $0x1B8E;
	s24 =	sld [smem:$0x3FFE];
	[sflag:s23] =	ssyncadd.s32 $0xFFFFFFFF  }
0xa5: {  	s26 =	simm.s32 $execute0_lowered;
	[smem:$0x3FD2] =	sst s25  }
0xa6: {  	s5 =	sshll.u32 s26, $0x1;
	_ =	strace $0x80000046;
	[dreg:$0x1] =	wrdreg $0xFFFFFFFF  }
0xa7: {  	s28 =	simm.s32 $_size_execute0_lowered;
	s3 =	sadd.s32 s3, s5;
	[dreg:$0x0] =	wrdreg $0x0  }
0xa8: {  	s5 =	sshll.u32 s28, $0x1;
	[dreg:$0x2] =	wrdreg s3  }
0xa9: {  	[dreg:$0x3] =	wrdreg s5  }
0xaa: {  	[dreg:$0x4] =	wrdreg $0xC0  }
0xab: {  	_ =	task [dreg:s7], $0x5FFFF  }
0xac: {  	[dreg:$0x1] =	wrdreg $0xFFFFFFFF  }
0xad: {  	[dreg:$0x0] =	wrdreg $0x60  }
0xae: {  	[dreg:$0x2] =	wrdreg s2  }
0xaf: {  	[dreg:$0x3] =	wrdreg s24  }
0xb0: {  	[dreg:$0x4] =	wrdreg $0x9  }
0xb1: {  	_ =	task.clear_ibuf [dreg:s7], $0x5FFFF;
	_ =	strace $0x90000046  }
0xb2: {  	s29 =	simm.s32 $0x9;
	_ =	strace $0x80000048  }
0xb3: {  	_ =	swait.ge [sflag:s29], $0x1  }
0xb4: {  	[sflag:s29] =	ssyncadd.s32 $0xFFFFFFFF  }
0xb5: {  	_ =	strace $0x90000048  }
0xb6: {  	_ =	sfence  }
0xb7: {  	s30 =	sld [smem:$0x0];
	_ =	sdelay $0x2  }
0xb8: {  	s31 =	sshll.u32 s1, $0xD;
	s1 =	sshrl.u32 s1, $0x2  }
0xb9: {  	s3 =	sand.u32 $0x4000, s31;
	s1 =	sadd.s32 s1, s30  }
0xba: {  	s0 =	sor.u32 s3, s0;
	s1 =	sshll.u32 s1, $0x11  }
0xbb: {  	s0 =	sor.u32 s1, s0  }
0xbc: {  	s0 =	sadd.s32 $0x8F2B, s0  }
0xbd: {  	[sflag:s0] =	ssyncadd.remote.s32 $0x1  }
0xbe: {  	_ =	sfence.sel $0xFFFF  }
0xbf: {  	[dreg:$0x0] =	wrdreg $0xFFFFFFFF;
	(pc) =	sbr.abs _section_cstart, $3  }
0xc0: {  	[dreg:$0x1] =	wrdreg $0xFFFFFFFF  }
0xc1: {  	_ =	task.clear_ibuf [dreg:s7], $0x2FFFF;
	_ =	strace $0x9FFFFFFF  }
0xc2: {  	(tm) =	ssettm $0x7FFFFFFF  }
0xc3: {  	_ =	shalt  }
tec
execute0_lowered:
.L_overlay_start_1:
0x0: {  	(tag) =	ssettag $0x1  }
0x1: {  	s0 =	srdreg.scid;
	s2 =	rddreg [dreg:$0x0]  }
0x2: {  	s10 =	stileid.u32;
	s4 =	rddreg [dreg:$0x1];
	s3 =	simm.s32 $0x0  }
0x3: {  	s16 =	simm.s32 $0x3;
	s17 =	simm.s32 $0x10000;
	s18 =	simm.s32 $0xF000  }
0x4: {  	s19 =	simm.s32 $0x28;
	s20 =	simm.s32 $0xA000;
	s21 =	simm.s32 $0xC800  }
0x5: {  	s22 =	simm.s32 $0xDC00;
	s23 =	simm.s32 $0x1;
	s0 =	sand.u32 $0x1, s0  }
0x6: {  	s1 =	sshll.u32 s10, $0x1;
	[smem:$0x7FF] =	sst s3;
	s29 =	smul.u32 $0x28000, s10  }
0x7: {  	s6 =	sadd.s32 $0xC400, s4;
	s1 =	sor.u32 s0, s1;
	s30 =	smul.u32 $0x14000, s0  }
0x8: {  	s15 =	sadd.s32 $0x71800, s4;
	_ =	strace $0x80000047;
	s5 =	smul.u32 $0x1400, s1  }
0x9: {  	[dreg:$0x3] =	wrdreg s6;
	s9 =	ssub.s32 $0x2, s0;
	s7 =	smul.u32 $0x14000, s1  }
0xa: {  	s6 =	sadd.s32 $0x5D800, s4;
	s14 =	smul.u32 $0x1400, s0;
	s24 =	sshrl.u32 s9, $0x1  }
0xb: {  	s31 =	sadd.s32 s29, s15;
	s5 =	sshrl.u32 s5, $0x3;
	s28 =	sadd.s32 s15, s7  }
0xc: {  	s15 =	sadd.s32 s30, s31;
	s8 =	sadd.s32 s5, s4;
	s5 =	sadd.s32 $0xD800, s4  }
0xd: {  	s4 =	ssub.s32 s9, s24;
	s9 =	smul.u32 $0x14, s1;
	s12 =	sadd.s32 $0x13B00, s28  }
0xe: {  	s13 =	sadd.s32 $0x13D80, s28;
	s24 =	simm.s32 $0x2;
	s25 =	sadd.s32 $0x7400, s8  }
0xf: {  	v0 =	vlaneseq.u32;
	s26 =	sadd.s32 $0x2400, s8;
	s11 =	smax.u32 s4, $0x1;
	[dreg:$0x4] =	wrdreg s25  }
0x10: {  	v2 =	vimm.f32 $0.0e+00;
	v1 =	vmul.u32 $0x4, v0;
	[dreg:$0x5] =	wrdreg s26;
	s25 =	simm.s32 $0xB3D8;
	s26 =	simm.s32 $0x0  }
.LBB2_1:
0x11: {  	s0 =	rddreg [dreg:$0x3]  }
0x12: {  	[tilespmem:s3], [sflag:$0x3] =	stream.linear.gather [hbm4b:s0+s3], $0xA000, $0x38;
	[tilespmem:$0x10400] =	vst v63  }
0x13: {  	_ =	swait.ge [sflag:s16], $0xA000  }
0x14: {  	[sflag:s16] =	ssyncset.done $0x0  }
0x15: {  	s29 =	rddreg [dreg:$0x4];
	[sflag:s16] =	ssyncadd.s32 $0xFFFF6000  }
0x16: {  	[tilespmem:s20], [sflag:$0x3] =	stream.linear.gather [hbm4b:s29+s3], $0x1400, $0x38;
	[tilespmem:$0x10400] =	vst v63  }
0x17: {  	_ =	swait.ge [sflag:s16], $0x1400  }
0x18: {  	[sflag:s16] =	ssyncset.done $0x0  }
0x19: {  	s0 =	simm.s32 $0xB400;
	s1 =	rddreg [dreg:$0x5];
	[sflag:s16] =	ssyncadd.s32 $0xFFFFEC00  }
0x1a: {  	[tilespmem:s0], [sflag:$0x3] =	stream.linear.gather [hbm4b:s1+s3], $0x1400, $0x38;
	[tilespmem:$0x10400] =	vst v63  }
0x1b: {  	_ =	swait.ge [sflag:s16], $0x1400  }
0x1c: {  	s4 =	simm.s32 $0xA000;
	[sflag:s16] =	ssyncset.done $0x0  }
0x1d: {  	s30 =	smov.u32 s14;
	s31 =	simm.s32 $0x0;
	[sflag:s16] =	ssyncadd.s32 $0xFFFFEC00  }
.LBB2_2:
0x1e: {  	s1 =	sadd.s32 $0x0, s30;
	v3 =	vld [tilespmem:s4+$0x0]  }
0x1f: {  	v4 =	vmov s1  }
0x20: {  	v4 =	vshll.u32 v4, $0x2  }
0x21: {  	v4 =	vor.u32 v1, v4  }
0x22: {  	v5 =	vor.u32 $0x1, v4  }
0x23: {  	v3 =	vshll.u32 v3, $0x2  }
0x24: {  	v6 =	vor.u32 $0x1, v3  }
0x25: {  	v7 =	vor.u32 $0x2, v4  }
0x26: {  	v8 =	vor.u32 $0x2, v3;
	v4 =	vld.idx.msk [tilespmem:v4+s3+$0x0], $0xffff  }
0x27: {  	v5 =	vld.idx.msk [tilespmem:v5+s3+$0x0], $0xffff  }
0x28: {  	v3 =	vld.idx.msk [tilespmem:v3+s3+$0x0], $0xffff  }
0x29: {  	v6 =	vld.idx.msk [tilespmem:v6+s3+$0x0], $0xffff  }
0x2a: {  	v7 =	vld.idx.msk [tilespmem:v7+s3+$0x0], $0xffff  }
0x2b: {  	v8 =	vld.idx.msk [tilespmem:v8+s3+$0x0], $0xffff;
	_ =	sdelay $0x2  }
0x2c: {  	v3 =	vsub.f32 v3, v4;
	v4 =	vsub.f32 v6, v5;
	_ =	sdelay $0x1  }
0x2d: {  	v5 =	vsub.f32 v8, v7;
	v6 =	vmul.f32 v3, v3;
	v7 =	vmul.f32 v4, v4;
	_ =	sdelay $0x1  }
0x2e: {  	v8 =	vmul.f32 v5, v5;
	v6 =	vadd.f32 v7, v6;
	_ =	sdelay $0x1  }
0x2f: {  	v6 =	vadd.f32 v8, v6;
	_ =	sdelay $0x1  }
0x30: {  	v6 =	vadd.f32 $9.999999960e-13, v6;
	_ =	sdelay $0x1  }
0x31: {  	v7 =	vshrl.u32 v6, $0x1;
	v40 =	vmul.f32 $5.000000000e-01, v6  }
0x32: {  	v7 =	vsub.s32 $0x5F3759DF, v7  }
0x33: {  	v9 =	vmul.f32 v7, v40;
	_ =	sdelay $0x1  }
0x34: {  	v9 =	vmul.f32 v7, v9;
	_ =	sdelay $0x1  }
0x35: {  	v9 =	vsub.f32 $1.500000000e+00, v9;
	_ =	sdelay $0x1  }
0x36: {  	v7 =	vmul.f32 v7, v9;
	_ =	sdelay $0x1  }
0x37: {  	v9 =	vmul.f32 v7, v40;
	_ =	sdelay $0x1  }
0x38: {  	v9 =	vmul.f32 v9, v7;
	_ =	sdelay $0x1  }
0x39: {  	v9 =	vsub.f32 $1.500000000e+00, v9;
	_ =	sdelay $0x1  }
0x3a: {  	v7 =	vmul.f32 v9, v7;
	_ =	sdelay $0x1  }
0x3b: {  	v8 =	vmul.f32 v7, v40;
	_ =	sdelay $0x1  }
0x3c: {  	v8 =	vmul.f32 v8, v7;
	_ =	sdelay $0x1  }
0x3d: {  	v8 =	vsub.f32 $1.500000000e+00, v8;
	_ =	sdelay $0x1  }
0x3e: {  	v7 =	vmul.f32 v8, v7;
	_ =	sdelay $0x1  }
0x3f: {  	v6 =	vmul.f32 v7, v6;
	_ =	sdelay $0x1  }
0x40: {  	v6 =	vmul.f32 $2.000000030e-01, v6;
	_ =	sdelay $0x1  }
0x41: {  	v41 =	vmin.f32 v6, $1.000000000e+00  }
0x42: {  	v42 =	vmul.f32 v41, v41;
	_ =	sdelay $0x1  }
0x43: {  	v10 =	vmul.f32 $-2.755732000e-07, v42;
	_ =	sdelay $0x1  }
0x44: {  	v10 =	vadd.f32 $2.480158760e-05, v10;
	_ =	sdelay $0x1  }
0x45: {  	v11 =	vmul.f32 $2.755731880e-06, v42;
	v10 =	vmul.f32 v10, v42;
	_ =	sdelay $0x1  }
0x46: {  	v11 =	vadd.f32 $-1.984127010e-04, v11;
	v10 =	vadd.f32 $-1.388888920e-03, v10;
	_ =	sdelay $0x1  }
0x47: {  	v11 =	vmul.f32 v11, v42;
	v10 =	vmul.f32 v10, v42;
	_ =	sdelay $0x1  }
0x48: {  	v11 =	vadd.f32 $8.333333770e-03, v11;
	v10 =	vadd.f32 $4.166666790e-02, v10;
	_ =	sdelay $0x1  }
0x49: {  	v11 =	vmul.f32 v11, v42;
	v10 =	vmul.f32 v10, v42;
	_ =	sdelay $0x1  }
0x4a: {  	v11 =	vadd.f32 $-1.666666720e-01, v11;
	v10 =	vadd.f32 $-5.000000000e-01, v10;
	_ =	sdelay $0x1  }
0x4b: {  	v11 =	vmul.f32 v11, v42;
	v9 =	vmul.f32 v10, v42;
	_ =	sdelay $0x1  }
0x4c: {  	v43 =	vadd.f32 $1.000000000e+00, v11;
	v9 =	vadd.f32 $1.000000000e+00, v9;
	_ =	sdelay $0x1  }
0x4d: {  	v8 =	vmul.f32 v43, v41;
	v9 =	vadd.f32 v9, v9;
	_ =	sdelay $0x1  }
0x4e: {  	v10 =	vmul.f32 v9, v8;
	_ =	sdelay $0x1  }
0x4f: {  	v44 =	vmul.f32 v10, v9;
	_ =	sdelay $0x1  }
0x50: {  	v11 =	vsub.f32 v44, v8;
	_ =	sdelay $0x1  }
0x51: {  	v12 =	vmul.f32 v11, v9;
	_ =	sdelay $0x1  }
0x52: {  	v12 =	vsub.f32 v12, v10;
	_ =	sdelay $0x1  }
0x53: {  	v13 =	vmul.f32 v12, v9;
	_ =	sdelay $0x1  }
0x54: {  	v13 =	vsub.f32 v13, v11;
	_ =	sdelay $0x1  }
0x55: {  	v14 =	vmul.f32 v13, v9;
	_ =	sdelay $0x1  }
0x56: {  	v14 =	vsub.f32 v14, v12;
	_ =	sdelay $0x1  }
0x57: {  	v15 =	vmul.f32 v14, v9  }
0x58: {  	v16 =	vmul.f32 v6, v6  }
0x59: {  	v15 =	vsub.f32 v15, v13  }
0x5a: {  	v16 =	vmul.f32 v16, v6  }
0x5b: {  	v17 =	vmul.f32 v15, v9  }
0x5c: {  	v18 =	vmul.f32 $-6.000000000e+00, v16  }
0x5d: {  	v19 =	vmul.f32 $-1.000000000e+01, v16;
	v16 =	vmul.f32 $1.500000000e+01, v16;
	v17 =	vsub.f32 v17, v14  }
0x5e: {  	v18 =	vmul.f32 v18, v6  }
0x5f: {  	v19 =	vadd.f32 $1.000000000e+00, v19;
	v16 =	vmul.f32 v16, v6;
	v20 =	vmul.f32 v17, v9;
	_ =	sdelay $0x1  }
0x60: {  	s10 =	simm.s32 $0x0;
	v18 =	vmul.f32 v18, v6;
	v16 =	vadd.f32 v16, v19;
	v45 =	vsub.f32 v20, v15  }
0x61: {  	v46 =	vor.u32 s10, v0  }
0x62: {  	v47 =	vld [tilespmem:s0+$0x0];
	v21 =	vshll.u32 v46, $0x2;
	v16 =	vadd.f32 v18, v16;
	v22 =	vmul.f32 v45, v9  }
0x63: {  	vm0 =	vlt.f32 v6, $1.000000000e+00;
	v6 =	vor.u32 $0x1, v21  }
0x64: {  	v23 =	vor.u32 $0x2, v21;
	v16 =	vnsel vm0, $0x0, v16;
	v22 =	vsub.f32 v22, v17  }
0x65: {  	v4 =	vmul.f32 v7, v4;
	v16 =	vmul.f32 v16, v7;
	v20 =	vshll.u32 v46, $0x4  }
0x66: {  	v5 =	vmul.f32 v7, v5;
	v24 =	vor.u32 $0x1, v20;
	v25 =	vmul.f32 v22, v9  }
0x67: {  	[tilespmem:v21+s17+$0x0] =	vst.idx.msk $0xffff, v4;
	v4 =	vmul.f32 v7, v3;
	v3 =	vmul.f32 v16, v47;
	v7 =	vor.u32 $0x2, v20  }
0x68: {  	[tilespmem:v6+s17+$0x0] =	vst.idx.msk $0xffff, v5;
	v5 =	vor.u32 $0x3, v20;
	v6 =	vsub.f32 v25, v45  }
0x69: {  	[tilespmem:v23+s17+$0x0] =	vst.idx.msk $0xffff, v4;
	v8 =	vmul.f32 v8, v3;
	v4 =	vor.u32 $0x4, v20  }
0x6a: {  	v10 =	vmul.f32 v10, v3;
	v48 =	vor.u32 $0x5, v20;
	[tilespmem:v20+s18+$0x0] =	vst.idx.msk $0xffff, v2;
	v49 =	vmul.f32 v6, v9  }
0x6b: {  	v50 =	vmul.f32 v11, v3;
	v51 =	vor.u32 $0x6, v20;
	[tilespmem:v24+s18+$0x0] =	vst.idx.msk $0xffff, v8  }
0x6c: {  	v52 =	vor.u32 $0x7, v20;
	[tilespmem:v7+s18+$0x0] =	vst.idx.msk $0xffff, v10;
	v7 =	vmul.f32 v12, v3;
	v53 =	vsub.f32 v49, v22  }
0x6d: {  	v13 =	vmul.f32 v13, v3;
	[tilespmem:v5+s18+$0x0] =	vst.idx.msk $0xffff, v50;
	v5 =	vor.u32 $0x8, v20  }
0x6e: {  	v54 =	vmul.f32 v14, v3;
	[tilespmem:v4+s18+$0x0] =	vst.idx.msk $0xffff, v7;
	v4 =	vor.u32 $0x9, v20;
	v7 =	vmul.f32 v53, v9  }
0x6f: {  	v55 =	vmul.f32 v15, v3;
	v56 =	vor.u32 $0xA, v20;
	[tilespmem:v48+s18+$0x0] =	vst.idx.msk $0xffff, v13  }
0x70: {  	v57 =	vmul.f32 v17, v3;
	v58 =	vor.u32 $0xB, v20;
	[tilespmem:v51+s18+$0x0] =	vst.idx.msk $0xffff, v54;
	v7 =	vsub.f32 v7, v6  }
0x71: {  	v60 =	vor.u32 $0xC, v20;
	v59 =	vmul.f32 v45, v3;
	[tilespmem:v52+s18+$0x0] =	vst.idx.msk $0xffff, v55  }
0x72: {  	v61 =	vor.u32 $0xD, v20;
	[tilespmem:v5+s18+$0x0] =	vst.idx.msk $0xffff, v57;
	v5 =	vmul.f32 v22, v3;
	v62 =	vmul.f32 v7, v9  }
0x73: {  	[tilespmem:v4+s18+$0x0] =	vst.idx.msk $0xffff, v59;
	v4 =	vmul.f32 v6, v3;
	v6 =	vor.u32 $0xE, v20  }
0x74: {  	[tilespmem:v56+s18+$0x0] =	vst.idx.msk $0xffff, v5;
	v5 =	vmul.f32 v53, v3;
	v63 =	vsub.f32 v62, v53  }
0x75: {  	[tilespmem:v58+s18+$0x0] =	vst.idx.msk $0xffff, v4;
	v4 =	vmul.f32 v7, v3  }
0x76: {  	[tilespmem:v60+s18+$0x0] =	vst.idx.msk $0xffff, v5;
	v5 =	vmul.f32 v63, v3;
	v9 =	vmul.f32 v63, v9  }
0x77: {  	[tilespmem:v61+s18+$0x0] =	vst.idx.msk $0xffff, v4;
	v4 =	vor.u32 $0xF, v20  }
0x78: {  	s28 =	smov.u32 s0;
	s29 =	smov.u32 s4;
	s1 =	simm.s32 $0x10;
	[tilespmem:v6+s18+$0x0] =	vst.idx.msk $0xffff, v5;
	v5 =	vsub.f32 v9, v7  }
.LBB2_3:
0x79: {  	p0 =	sne.s32 s1, $0xF0;
	s28 =	sadd.s32 $0x10, s28;
	s29 =	sadd.s32 $0x10, s29  }
0x7a: {  	s8 =	smov.u32 s1;
	s1 =	sadd.s32 $0x10, s1;
	v3 =	vmul.f32 v5, v3;
	_ =	sdelay $0x1  }
0x7b: {  	s10 =	sadd.s32 s8, s30;
	[tilespmem:v4+s18+$0x0] =	vst.idx.msk $0xffff, v3  }
0x7c: {  	v4 =	vmov s10;
	v3 =	vld [tilespmem:s29+$0x0]  }
0x7d: {  	v4 =	vshll.u32 v4, $0x2  }
0x7e: {  	v4 =	vor.u32 v1, v4  }
0x7f: {  	v5 =	vor.u32 $0x1, v4;
	v6 =	vor.u32 $0x2, v4;
	_ =	sdelay $0x1  }
0x80: {  	v3 =	vshll.u32 v3, $0x2  }
0x81: {  	v7 =	vor.u32 $0x1, v3  }
0x82: {  	v8 =	vor.u32 $0x2, v3;
	v4 =	vld.idx.msk [tilespmem:v4+s3+$0x0], $0xffff  }
0x83: {  	v6 =	vld.idx.msk [tilespmem:v6+s3+$0x0], $0xffff  }
0x84: {  	v5 =	vld.idx.msk [tilespmem:v5+s3+$0x0], $0xffff  }
0x85: {  	v3 =	vld.idx.msk [tilespmem:v3+s3+$0x0], $0xffff  }
0x86: {  	v7 =	vld.idx.msk [tilespmem:v7+s3+$0x0], $0xffff  }
0x87: {  	v8 =	vld.idx.msk [tilespmem:v8+s3+$0x0], $0xffff;
	_ =	sdelay $0x3  }
0x88: {  	v3 =	vsub.f32 v3, v4  }
0x89: {  	v4 =	vsub.f32 v7, v5  }
0x8a: {  	v5 =	vsub.f32 v8, v6;
	v6 =	vmul.f32 v3, v3  }
0x8b: {  	v7 =	vmul.f32 v4, v4  }
0x8c: {  	v8 =	vmul.f32 v5, v5  }
0x8d: {  	v6 =	vadd.f32 v7, v6;
	_ =	sdelay $0x1  }
0x8e: {  	v6 =	vadd.f32 v8, v6;
	_ =	sdelay $0x1  }
0x8f: {  	v6 =	vadd.f32 $9.999999960e-13, v6;
	_ =	sdelay $0x1  }
0x90: {  	v7 =	vshrl.u32 v6, $0x1;
	v8 =	vmul.f32 $5.000000000e-01, v6  }
0x91: {  	v7 =	vsub.s32 $0x5F3759DF, v7  }
0x92: {  	v9 =	vmul.f32 v7, v8;
	_ =	sdelay $0x1  }
0x93: {  	v9 =	vmul.f32 v7, v9;
	_ =	sdelay $0x1  }
0x94: {  	v9 =	vsub.f32 $1.500000000e+00, v9;
	_ =	sdelay $0x1  }
0x95: {  	v7 =	vmul.f32 v7, v9;
	_ =	sdelay $0x1  }
0x96: {  	v9 =	vmul.f32 v7, v8;
	_ =	sdelay $0x1  }
0x97: {  	v9 =	vmul.f32 v9, v7;
	_ =	sdelay $0x1  }
0x98: {  	v9 =	vsub.f32 $1.500000000e+00, v9;
	_ =	sdelay $0x1  }
0x99: {  	v7 =	vmul.f32 v9, v7;
	_ =	sdelay $0x1  }
0x9a: {  	v8 =	vmul.f32 v7, v8;
	_ =	sdelay $0x1  }
0x9b: {  	v8 =	vmul.f32 v8, v7;
	_ =	sdelay $0x1  }
0x9c: {  	v8 =	vsub.f32 $1.500000000e+00, v8;
	_ =	sdelay $0x1  }
0x9d: {  	v7 =	vmul.f32 v8, v7;
	_ =	sdelay $0x1  }
0x9e: {  	v6 =	vmul.f32 v7, v6;
	v8 =	vmul.f32 v7, v4  }
0x9f: {  	v5 =	vmul.f32 v7, v5;
	v9 =	vmul.f32 v7, v3  }
0xa0: {  	v3 =	vmul.f32 $2.000000030e-01, v6;
	_ =	sdelay $0x1  }
0xa1: {  	v4 =	vmul.f32 v3, v3;
	v6 =	vmin.f32 v3, $1.000000000e+00  }
0xa2: {  	v10 =	vmul.f32 v6, v6  }
0xa3: {  	v4 =	vmul.f32 v4, v3  }
0xa4: {  	v11 =	vmul.f32 $2.755731880e-06, v10;
	v12 =	vmul.f32 $-2.755732000e-07, v10  }
0xa5: {  	v13 =	vmul.f32 $-1.000000000e+01, v4;
	v14 =	vmul.f32 $-6.000000000e+00, v4  }
0xa6: {  	v4 =	vmul.f32 $1.500000000e+01, v4;
	v11 =	vadd.f32 $-1.984127010e-04, v11;
	v12 =	vadd.f32 $2.480158760e-05, v12  }
0xa7: {  	v14 =	vmul.f32 v14, v3  }
0xa8: {  	v11 =	vmul.f32 v11, v10;
	v12 =	vmul.f32 v12, v10  }
0xa9: {  	v13 =	vadd.f32 $1.000000000e+00, v13;
	v4 =	vmul.f32 v4, v3;
	v14 =	vmul.f32 v14, v3  }
0xaa: {  	v11 =	vadd.f32 $8.333333770e-03, v11;
	v12 =	vadd.f32 $-1.388888920e-03, v12  }
0xab: {  	v4 =	vadd.f32 v4, v13  }
0xac: {  	v11 =	vmul.f32 v11, v10;
	v12 =	vmul.f32 v12, v10  }
0xad: {  	v4 =	vadd.f32 v14, v4  }
0xae: {  	vm0 =	vlt.f32 v3, $1.000000000e+00;
	v3 =	vadd.f32 $-1.666666720e-01, v11;
	v11 =	vadd.f32 $4.166666790e-02, v12  }
0xaf: {  	v4 =	vnsel vm0, $0x0, v4  }
0xb0: {  	v3 =	vmul.f32 v3, v10;
	v11 =	vmul.f32 v11, v10  }
0xb1: {  	v7 =	vmul.f32 v4, v7  }
0xb2: {  	v3 =	vadd.f32 $1.000000000e+00, v3;
	v4 =	vadd.f32 $-5.000000000e-01, v11;
	_ =	sdelay $0x1  }
0xb3: {  	v4 =	vmul.f32 v4, v10;
	_ =	sdelay $0x1  }
0xb4: {  	v4 =	vadd.f32 $1.000000000e+00, v4  }
0xb5: {  	v6 =	vmul.f32 v3, v6  }
0xb6: {  	v4 =	vadd.f32 v4, v4  }
0xb7: {  	v3 =	vld [tilespmem:s28+$0x0]  }
0xb8: {  	v10 =	vmul.f32 v4, v6;
	_ =	sdelay $0x1  }
0xb9: {  	v11 =	vmul.f32 v10, v4;
	_ =	sdelay $0x1  }
0xba: {  	v3 =	vmul.f32 v7, v3;
	v7 =	vsub.f32 v11, v6;
	_ =	sdelay $0x1  }
0xbb: {  	v11 =	vmul.f32 v7, v3;
	v12 =	vmul.f32 v7, v4  }
0xbc: {  	v6 =	vmul.f32 v6, v3;
	v13 =	vmul.f32 v10, v3  }
0xbd: {  	v10 =	vsub.f32 v12, v10;
	_ =	sdelay $0x1  }
0xbe: {  	v12 =	vmul.f32 v10, v3;
	v14 =	vmul.f32 v10, v4  }
0xbf: {  	v15 =	vor.u32 s8, v0  }
0xc0: {  	v16 =	vshll.u32 v15, $0x2;
	v7 =	vsub.f32 v14, v7  }
0xc1: {  	v14 =	vor.u32 $0x1, v16  }
0xc2: {  	v17 =	vor.u32 $0x2, v16;
	v18 =	vmul.f32 v7, v3;
	v19 =	vmul.f32 v7, v4  }
0xc3: {  	v15 =	vshll.u32 v15, $0x4  }
0xc4: {  	v20 =	vor.u32 $0x1, v15;
	v10 =	vsub.f32 v19, v10  }
0xc5: {  	[tilespmem:v16+s17+$0x0] =	vst.idx.msk $0xffff, v8;
	v8 =	vor.u32 $0x2, v15  }
0xc6: {  	[tilespmem:v14+s17+$0x0] =	vst.idx.msk $0xffff, v5;
	v5 =	vor.u32 $0x3, v15;
	v14 =	vmul.f32 v10, v3;
	v16 =	vmul.f32 v10, v4  }
0xc7: {  	[tilespmem:v17+s17+$0x0] =	vst.idx.msk $0xffff, v9;
	v9 =	vor.u32 $0x4, v15  }
0xc8: {  	v17 =	vor.u32 $0x5, v15;
	[tilespmem:v15+s18+$0x0] =	vst.idx.msk $0xffff, v2;
	v7 =	vsub.f32 v16, v7  }
0xc9: {  	[tilespmem:v20+s18+$0x0] =	vst.idx.msk $0xffff, v6;
	v6 =	vor.u32 $0x6, v15  }
0xca: {  	[tilespmem:v8+s18+$0x0] =	vst.idx.msk $0xffff, v13;
	v8 =	vmul.f32 v7, v3;
	v13 =	vor.u32 $0x7, v15;
	v16 =	vmul.f32 v7, v4  }
0xcb: {  	[tilespmem:v5+s18+$0x0] =	vst.idx.msk $0xffff, v11;
	v5 =	vor.u32 $0x8, v15  }
0xcc: {  	[tilespmem:v9+s18+$0x0] =	vst.idx.msk $0xffff, v12;
	v9 =	vsub.f32 v16, v10  }
0xcd: {  	[tilespmem:v17+s18+$0x0] =	vst.idx.msk $0xffff, v18  }
0xce: {  	[tilespmem:v6+s18+$0x0] =	vst.idx.msk $0xffff, v14;
	v6 =	vmul.f32 v9, v3;
	v10 =	vmul.f32 v9, v4  }
0xcf: {  	[tilespmem:v13+s18+$0x0] =	vst.idx.msk $0xffff, v8;
	v8 =	vor.u32 $0x9, v15  }
0xd0: {  	[tilespmem:v5+s18+$0x0] =	vst.idx.msk $0xffff, v6;
	v5 =	vsub.f32 v10, v7;
	_ =	sdelay $0x1  }
0xd1: {  	v6 =	vmul.f32 v5, v3;
	v7 =	vmul.f32 v5, v4  }
0xd2: {  	v10 =	vor.u32 $0xA, v15  }
0xd3: {  	[tilespmem:v8+s18+$0x0] =	vst.idx.msk $0xffff, v6;
	v6 =	vsub.f32 v7, v9;
	_ =	sdelay $0x1  }
0xd4: {  	v7 =	vmul.f32 v6, v3;
	v8 =	vmul.f32 v6, v4  }
0xd5: {  	v9 =	vor.u32 $0xB, v15  }
0xd6: {  	[tilespmem:v10+s18+$0x0] =	vst.idx.msk $0xffff, v7;
	v5 =	vsub.f32 v8, v5;
	_ =	sdelay $0x1  }
0xd7: {  	v7 =	vmul.f32 v5, v3;
	v8 =	vmul.f32 v5, v4  }
0xd8: {  	v10 =	vor.u32 $0xC, v15  }
0xd9: {  	[tilespmem:v9+s18+$0x0] =	vst.idx.msk $0xffff, v7;
	v6 =	vsub.f32 v8, v6;
	_ =	sdelay $0x1  }
0xda: {  	v7 =	vmul.f32 v6, v3;
	v8 =	vmul.f32 v6, v4  }
0xdb: {  	v9 =	vor.u32 $0xD, v15  }
0xdc: {  	[tilespmem:v10+s18+$0x0] =	vst.idx.msk $0xffff, v7;
	v5 =	vsub.f32 v8, v5;
	_ =	sdelay $0x1  }
0xdd: {  	v7 =	vmul.f32 v5, v3;
	v8 =	vmul.f32 v5, v4  }
0xde: {  	v10 =	vor.u32 $0xE, v15  }
.Ltmp0:
0xdf: {  	[tilespmem:v9+s18+$0x0] =	vst.idx.msk $0xffff, v7;
	v6 =	vsub.f32 v8, v6;
	(pc) =	sbr.rel @p0 .LBB2_3-.Ltmp0, $4  }
0xe0: {  	_ = 	snop  }
0xe1: {  	v7 =	vmul.f32 v6, v3;
	v6 =	vmul.f32 v6, v4  }
0xe2: {  	v4 =	vor.u32 $0xF, v15  }
0xe3: {  	[tilespmem:v10+s18+$0x0] =	vst.idx.msk $0xffff, v7;
	v5 =	vsub.f32 v6, v5  }
0xe4: {  	_ = 	snop  }
0xe5: {  	s1 =	sshll.u32 s31, $0xC  }
0xe6: {  	v3 =	vmul.f32 v5, v3;
	s1 =	sadd.s32 s7, s1  }
0xe7: {  	s1 =	sshrl.u32 s1, $0x3  }
0xe8: {  	[tilespmem:v4+s18+$0x0] =	vst.idx.msk $0xffff, v3;
	s1 =	sadd.s32 s5, s1  }
0xe9: {  	[hbm4b:s1+s3] =	stream.linear.scatter [tilespmem:s18], [sflag:$0x3], $0x1000, $0x38;
	[tilespmem:$0x10400] =	vst v63  }
0xea: {  	s29 =	sadd.s32 s9, s31;
	s31 =	sadd.s32 $0x1, s31;
	_ =	swait.ge [sflag:s16], $0x1000  }
0xeb: {  	p0 =	sne.s32 s31, $0x14;
	s1 =	sshll.u32 s29, $0x7;
	[sflag:s16] =	ssyncset.done $0x0  }
.Ltmp1:
0xec: {  	s1 =	sadd.s32 s6, s1;
	[sflag:s16] =	ssyncadd.s32 $0xFFFFF000;
	(pc) =	sbr.rel @p0 .LBB2_2-.Ltmp1, $4  }
0xed: {  	[hbm4b:s1+s3] =	stream.linear.scatter [tilespmem:s17], [sflag:$0x3], $0x400, $0x38;
	[tilespmem:$0x10400] =	vst v63  }
0xee: {  	_ =	swait.ge [sflag:s16], $0x400  }
0xef: {  	s30 =	sadd.s32 $0x100, s30;
	[sflag:s16] =	ssyncset.done $0x0  }
0xf0: {  	s0 =	sadd.s32 $0x100, s0;
	s4 =	sadd.s32 $0x100, s4;
	[sflag:s16] =	ssyncadd.s32 $0xFFFFFC00  }
0xf1: {  	[tilespmem:s21], [sflag:$0x1] =	stream.indirect.gather [hbm4b:s2+s19], $0x80, s20, s19, $0xb8;
	[tilespmem:$0x10400] =	vst v63  }
0xf2: {  	s0 =	simm.s32 $0xA028  }
0xf3: {  	[tilespmem:s22], [sflag:$0x2] =	stream.indirect.gather [hbm4b:s2+s19], $0x80, s0, s19, $0xb8;
	[tilespmem:$0x10400] =	vst v63  }
0xf4: {  	_ =	swait.ge [sflag:s23], $0x1400  }
0xf5: {  	[sflag:s23] =	ssyncset.done $0x0  }
0xf6: {  	s1 =	sadd.s32 $0x0, s15;
	[sflag:s23] =	ssyncadd.s32 $0xFFFFEC00  }
0xf7: {  	[hbm4b:s1+s3] =	stream.linear.scatter [tilespmem:s21], [sflag:$0x3], $0x1400, $0x38;
	[tilespmem:$0x10400] =	vst v63  }
0xf8: {  	_ =	swait.ge [sflag:s16], $0x1400  }
0xf9: {  	[sflag:s16] =	ssyncset.done $0x0  }
0xfa: {  	s4 =	simm.s32 $0xA050;
	[sflag:s16] =	ssyncadd.s32 $0xFFFFEC00  }
0xfb: {  	[tilespmem:s21], [sflag:$0x1] =	stream.indirect.gather [hbm4b:s2+s19], $0x80, s4, s19, $0xb8;
	[tilespmem:$0x10400] =	vst v63  }
0xfc: {  	_ =	swait.ge [sflag:s24], $0x1400  }
0xfd: {  	[sflag:s24] =	ssyncset.done $0x0  }
0xfe: {  	s1 =	sadd.s32 $0x280, s1;
	[sflag:s24] =	ssyncadd.s32 $0xFFFFEC00  }
0xff: {  	[hbm4b:s1+s3] =	stream.linear.scatter [tilespmem:s22], [sflag:$0x3], $0x1400, $0x38;
	[tilespmem:$0x10400] =	vst v63  }
0x100: {  	_ =	swait.ge [sflag:s16], $0x1400  }
0x101: {  	s1 =	simm.s32 $0x500;
	[sflag:s16] =	ssyncset.done $0x0  }
.LBB2_6:
0x102: {  	p0 =	sne.s32 s1, $0x13600;
	[sflag:s16] =	ssyncadd.s32 $0xFFFFEC00;
	s0 =	sadd.s32 $0x50, s0  }
0x103: {  	[tilespmem:s22], [sflag:$0x2] =	stream.indirect.gather [hbm4b:s2+s19], $0x80, s0, s19, $0xb8;
	[tilespmem:$0x10400] =	vst v63  }
0x104: {  	s4 =	smov.u32 s1;
	s1 =	sadd.s32 $0x500, s1;
	_ =	swait.ge [sflag:s23], $0x1400  }
0x105: {  	[sflag:s23] =	ssyncset.done $0x0  }
0x106: {  	s4 =	sadd.s32 s4, s15;
	[sflag:s23] =	ssyncadd.s32 $0xFFFFEC00  }
0x107: {  	[hbm4b:s4+s3] =	stream.linear.scatter [tilespmem:s21], [sflag:$0x3], $0x1400, $0x38;
	[tilespmem:$0x10400] =	vst v63  }
0x108: {  	_ =	swait.ge [sflag:s16], $0x1400  }
0x109: {  	[sflag:s16] =	ssyncset.done $0x0  }
0x10a: {  	s8 =	sadd.s32 $0x28, s0;
	[sflag:s16] =	ssyncadd.s32 $0xFFFFEC00  }
0x10b: {  	[tilespmem:s21], [sflag:$0x1] =	stream.indirect.gather [hbm4b:s2+s19], $0x80, s8, s19, $0xb8;
	[tilespmem:$0x10400] =	vst v63  }
0x10c: {  	_ =	swait.ge [sflag:s24], $0x1400  }
.Ltmp2:
0x10d: {  	[sflag:s24] =	ssyncset.done $0x0;
	(pc) =	sbr.rel @p0 .LBB2_6-.Ltmp2, $4  }
0x10e: {  	s4 =	sadd.s32 $0x280, s4;
	[sflag:s24] =	ssyncadd.s32 $0xFFFFEC00  }
0x10f: {  	[hbm4b:s4+s3] =	stream.linear.scatter [tilespmem:s22], [sflag:$0x3], $0x1400, $0x38;
	[tilespmem:$0x10400] =	vst v63  }
0x110: {  	_ =	swait.ge [sflag:s16], $0x1400  }
0x111: {  	[sflag:s16] =	ssyncset.done $0x0  }
0x112: {  	[sflag:s16] =	ssyncadd.s32 $0xFFFFEC00  }
0x113: {  	[tilespmem:s22], [sflag:$0x2] =	stream.indirect.gather [hbm4b:s2+s19], $0x80, s25, s19, $0xb8;
	[tilespmem:$0x10400] =	vst v63  }
0x114: {  	_ =	swait.ge [sflag:s23], $0x1400  }
0x115: {  	[sflag:s23] =	ssyncset.done $0x0  }
0x116: {  	[sflag:s23] =	ssyncadd.s32 $0xFFFFEC00  }
0x117: {  	[hbm4b:s12+s3] =	stream.linear.scatter [tilespmem:s21], [sflag:$0x3], $0x1400, $0x38;
	[tilespmem:$0x10400] =	vst v63  }
0x118: {  	_ =	swait.ge [sflag:s16], $0x1400  }
0x119: {  	[sflag:s16] =	ssyncset.done $0x0  }
0x11a: {  	[sflag:s16] =	ssyncadd.s32 $0xFFFFEC00  }
0x11b: {  	[tilespmem:s21], [sflag:$0x1] =	stream.indirect.gather [hbm4b:s2+s19], $0x80, s25, s19, $0xb8;
	[tilespmem:$0x10400] =	vst v63  }
0x11c: {  	_ =	swait.ge [sflag:s24], $0x1400  }
0x11d: {  	[sflag:s24] =	ssyncset.done $0x0  }
0x11e: {  	s26 =	sadd.s32 $0x1, s26;
	[sflag:s24] =	ssyncadd.s32 $0xFFFFEC00  }
0x11f: {  	[hbm4b:s13+s3] =	stream.linear.scatter [tilespmem:s22], [sflag:$0x3], $0x1400, $0x38;
	[tilespmem:$0x10400] =	vst v63  }
0x120: {  	p0 =	sne.s32 s26, s11;
	_ =	swait.ge [sflag:s16], $0x1400  }
.Ltmp3:
0x121: {  	[sflag:s16] =	ssyncset.done $0x0;
	(pc) =	sbr.rel @p0 .LBB2_1-.Ltmp3, $4  }
0x122: {  	[sflag:s16] =	ssyncadd.s32 $0xFFFFEC00  }
0x123: {  	_ =	swait.ge [sflag:s23], $0x1400  }
0x124: {  	[sflag:s23] =	ssyncset.done $0x0  }
0x125: {  	[sflag:s23] =	ssyncadd.s32 $0xFFFFEC00  }
0x126: {  	_ =	sfence.sel $0x180000  }
0x127: {  	[bflag:$0x0] =	sbarrier.arrive $0xFFFF  }
0x128: {  	_ =	strace $0x90000047  }
0x129: {  	s0 =	stileid.u32;
	[bflag:$0x2] =	sbarrier.arrive $0xFFFF  }
0x12a: {  	p0 =	sne.s32 s0, $0x0;
	s0 =	rddreg [dreg:$0x2]  }
0x12b: {  	s0 =	sadd.s32 @!p0 $0x100000, s0  }
0x12c: {  	[sflag:s0] =	ssyncadd.tile.s32 @!p0 $0x1;
	_ =	shalt  }
.Lfunc_end2:
_tile_overlayer_lowered:
.L_overlay_start_2:
0x12d: {  	(tag) =	ssettag $0x2  }
0x12e: {  	s0 =	rddreg [dreg:$0x0];
	s2 =	stileid.u32  }
0x12f: {  	s1 =	rddreg [dreg:$0x1];
	p0 =	sne.s32 s2, $0x0  }
0x130: {  	s3 =	rddreg [dreg:$0x2];
	[bflag:$0x3] =	sbarrier.arrive $0xFFFF;
	s2 =	simm.s32 @!p0 $0x1C03  }
0x131: {  	[timem:s3], [sflag:s2] =	dma.local @!p0 [hbm:s0], s1  }
0x132: {  	s0 =	simm.s32 @!p0 $0x3  }
0x133: {  	_ =	swait.ge @!p0 [sflag:s0], s1  }
0x134: {  	s1 =	ssub.s32 @!p0 $0x0, s1;
	[sflag:s0] =	ssyncset.done @!p0 $0x0  }
0x135: {  	[sflag:s0] =	ssyncadd.s32 @!p0 s1  }
0x136: {  	[bflag:$0x3] =	sbarrier.arrive $0xFFFF  }
0x137: {  	_ =	shalt  }

</sc_bundles>
